<compile_context>
chip_gen: v7x
topology: tpu7x:2x2x1
jax: 0.10.2.dev20260603
libtpu: 0.0.44.dev20260713+nightly
codegen_flags: <defaults>
</compile_context>

<pallas_src>
import functools

import jax
import jax.numpy as jnp
from jax import lax
from jax.experimental import pallas as pl
from jax.experimental.pallas import tpu as pltpu
from jax.experimental.pallas import tpu_sc as plsc


def _argmin_body(nrows, ncodes, rows_per_tile, scale,
                 flat_ref, emb_ref, isqr_ref, esqr_ref,
                 idx_ref, loss_ref, acc_ref):
    i = pl.program_id(0)
    z2 = flat_ref[...] * 2.0
    m2 = jax.lax.dot_general(z2, emb_ref[...], (((1,), (0,)), ((), ())),
                             preferred_element_type=jnp.float32)
    isqr = isqr_ref[...]
    ch = 128
    nchunks = ncodes // ch
    best_v = isqr - m2[:, 0:ch] + esqr_ref[:, 0:ch]
    best_c = jnp.zeros((rows_per_tile, ch), jnp.int32)
    for c in range(1, nchunks):
        dc = isqr - m2[:, c * ch:(c + 1) * ch] + esqr_ref[:, c * ch:(c + 1) * ch]
        lt = dc < best_v
        best_v = jnp.where(lt, dc, best_v)
        best_c = jnp.where(lt, c, best_c)
    lane = jax.lax.broadcasted_iota(jnp.int32, (rows_per_tile, ch), 1)
    best_j = best_c * ch + lane
    mn = jnp.min(best_v, axis=1, keepdims=True)
    idx_ref[...] = jnp.min(jnp.where(best_v == mn, best_j, ncodes), axis=1,
                           keepdims=True)
    part = jnp.sum(mn).reshape(1, 1)
    prev = jnp.where(i == 0, jnp.zeros((1, 1), jnp.float32), acc_ref[...])
    acc = prev + part
    acc_ref[...] = acc
    @pl.when(i == (nrows // rows_per_tile) - 1)
    def _():
        loss_ref[...] = acc * scale


def _make_gather(nrows, emb_dim):
    info = plsc.get_sparse_core_info()
    nworkers = info.num_cores * info.num_subcores
    rows_per_w = nrows // nworkers
    mesh = plsc.VectorSubcoreMesh(core_axis_name="c", subcore_axis_name="s")

    @functools.partial(
        pl.kernel, mesh=mesh,
        out_type=jax.ShapeDtypeStruct((nrows, emb_dim), jnp.float32),
        scratch_types=[
            pltpu.VMEM((rows_per_w,), jnp.int32),
            pltpu.VMEM((rows_per_w, emb_dim), jnp.float32),
            pltpu.SemaphoreType.DMA,
        ],
        compiler_params=pltpu.CompilerParams(use_tc_tiling_on_sc=False),
    )
    def gather(table_hbm, idx_hbm, out_hbm, idx_v, rows_v, sem):
        wid = lax.axis_index("s") * info.num_cores + lax.axis_index("c")
        base = wid * rows_per_w
        pltpu.sync_copy(idx_hbm.at[pl.ds(base, rows_per_w)], idx_v)
        pltpu.async_copy(table_hbm.at[idx_v], rows_v, sem).wait()
        pltpu.sync_copy(rows_v, out_hbm.at[pl.ds(base, rows_per_w)])

    return gather


def kernel(z_latents, embeddings):
    commitment_cost = 0.25
    emb_dim = embeddings.shape[0]
    ncodes = embeddings.shape[1]
    z_shape = z_latents.shape
    flat = z_latents.reshape(-1, emb_dim)
    nrows = flat.shape[0]
    inputs_sqr = jnp.sum(flat ** 2, axis=1, keepdims=True)
    emb_sqr = jnp.sum(embeddings ** 2, axis=0, keepdims=True)
    emb_t = embeddings.T

    rows = 1024
    grid = nrows // rows
    scale = (1.0 + commitment_cost) / (nrows * emb_dim)

    idx, loss = pl.pallas_call(
        functools.partial(_argmin_body, nrows, ncodes, rows, scale),
        grid=(grid,),
        in_specs=[
            pl.BlockSpec((rows, emb_dim), lambda i: (i, 0)),
            pl.BlockSpec((emb_dim, ncodes), lambda i: (0, 0)),
            pl.BlockSpec((rows, 1), lambda i: (i, 0)),
            pl.BlockSpec((1, ncodes), lambda i: (0, 0)),
        ],
        out_specs=[
            pl.BlockSpec((rows, 1), lambda i: (i, 0)),
            pl.BlockSpec((1, 1), lambda i: (0, 0)),
        ],
        out_shape=[
            jax.ShapeDtypeStruct((nrows, 1), jnp.int32),
            jax.ShapeDtypeStruct((1, 1), jnp.float32),
        ],
        scratch_shapes=[pltpu.VMEM((1, 1), jnp.float32)],
    )(flat, embeddings, inputs_sqr, emb_sqr)

    q = _make_gather(nrows, emb_dim)(emb_t, idx.reshape(nrows))
    return q.reshape(z_shape), loss.reshape(())

# --- scband reference (transcript-rebuilt; emitter-appended) ---
"""Pipeline reference for scband-vector-quantizer-36094905155774 (READ-ONLY COPY).

The authoritative reference and input builder live on the scoring server;
editing this copy changes nothing except your own understanding.
"""

import jax, jax.numpy as jnp
import numpy as np


def setup_inputs(seed: int = 0) -> dict:
    key = jax.random.key(seed)
    k1, k2 = jax.random.split(key)
    z_latents = jax.random.normal(k1, (8, 1024, 32), dtype=jnp.float32)
    # embeddings variable has shape (embedding_dim, num_embeddings), uniform init
    embeddings = jax.random.uniform(k2, (32, 8192), dtype=jnp.float32, minval=-0.05, maxval=0.05)
    return {"z_latents": z_latents, "embeddings": embeddings}


def reference(z_latents, embeddings):
    commitment_cost = 0.25
    embedding_dim = embeddings.shape[0]
    num_embeddings = embeddings.shape[1]
    z_shape = z_latents.shape
    flattened = z_latents.reshape(-1, embedding_dim)
    embedding_sqr = jnp.sum(embeddings ** 2, axis=0, keepdims=True)
    inputs_sqr = jnp.sum(flattened ** 2, axis=1, keepdims=True)
    distances = inputs_sqr - 2.0 * (flattened @ embeddings) + embedding_sqr
    encoding_indices = jnp.argmax(-distances, axis=1)
    encodings_one_hot = jax.nn.one_hot(encoding_indices, num_embeddings, dtype=distances.dtype)
    reshaped_embeddings = embeddings.T  # (num_embeddings, embedding_dim)
    quantized_latents = encodings_one_hot @ reshaped_embeddings
    quantized_latents = quantized_latents.reshape(z_shape)
    commitment_loss = jnp.mean((jax.lax.stop_gradient(quantized_latents) - z_latents) ** 2)
    embedding_loss = jnp.mean((jax.lax.stop_gradient(z_latents) - quantized_latents) ** 2)
    vq_loss = embedding_loss + commitment_cost * commitment_loss
    quantized_st = z_latents + jax.lax.stop_gradient(quantized_latents - z_latents)
    return (quantized_st, vq_loss)

if __name__ == "__main__":
    import jax
    _d = setup_inputs()
    print(jax.jit(kernel)(*tuple(_d.values())))

</pallas_src>

<mosaic_0001>
#map = affine_map<(d0, d1) -> (0, 0)>
#map1 = affine_map<(d0, d1) -> (0)>
module attributes {stable_mosaic.version = 14 : i64} {
  func.func @gather(%arg0: i32, %arg1: i32, %arg2: memref<8192x32xf32, #tpu.memory_space<hbm>>, %arg3: memref<8192xi32, #tpu.memory_space<hbm>>, %arg4: memref<8192x32xf32, #tpu.memory_space<hbm>>, %arg5: memref<256xi32, #tpu.memory_space<vmem>>, %arg6: memref<256x32xf32, #tpu.memory_space<vmem>>, %arg7: memref<!tpu.dma_semaphore, #tpu.memory_space<semaphore_mem>>) attributes {dimension_semantics = [#tpu.dimension_semantics<core_parallel>, #tpu.dimension_semantics<subcore_parallel>], iteration_bounds = array<i64: 2, 16>, scalar_prefetch = 0 : i64, scratch_operands = 3 : i64, tpu.core_type = #tpu.core_type<sc_vector_subcore>, window_params = [{transform_indices = #map}, {transform_indices = #map1}, {transform_indices = #map}]} {
    %mul3A = arith.constant 2 : i32
    %mul3A_0 = arith.muli %arg1, %mul3A : i32
    %add3A = arith.addi %mul3A_0, %arg0 : i32
    %mul3A_1 = arith.constant 256 : i32
    %mul3A_2 = arith.muli %add3A, %mul3A_1 : i32
    "tpu.region"() ({
      %run_scoped3A = tpu.sem_alloc : memref<!tpu.dma_semaphore, #tpu.memory_space<semaphore_mem>>
      %dma_start3A_7 = tpu.memref_slice %arg3[%mul3A_2] : memref<8192xi32, #tpu.memory_space<hbm>> -> memref<256xi32, #tpu.memory_space<hbm>>
      %dma_start3A_8 = tpu.memref_slice %arg3[%mul3A_2] : memref<8192xi32, #tpu.memory_space<hbm>> -> memref<256xi32, #tpu.memory_space<hbm>>
      tpu.enqueue_dma source(%dma_start3A_8 : memref<256xi32, #tpu.memory_space<hbm>>) target(%arg5 : memref<256xi32, #tpu.memory_space<vmem>>) target_semaphore(%run_scoped3A : memref<!tpu.dma_semaphore, #tpu.memory_space<semaphore_mem>>)
      %dma_wait3A_9 = tpu.memref_slice %arg3[%mul3A_2] : memref<8192xi32, #tpu.memory_space<hbm>> -> memref<256xi32, #tpu.memory_space<hbm>>
      %dma_wait3A_10 = tpu.memref_slice %arg3[%mul3A_2] : memref<8192xi32, #tpu.memory_space<hbm>> -> memref<256xi32, #tpu.memory_space<hbm>>
      tpu.wait_dma2 semaphore(%run_scoped3A : memref<!tpu.dma_semaphore, #tpu.memory_space<semaphore_mem>>) src(%dma_wait3A_10 : memref<256xi32, #tpu.memory_space<hbm>>) dst(%arg5 : memref<256xi32, #tpu.memory_space<vmem>>)
      tpu.yield
    }) : () -> ()
    %dma_start3A = arith.constant 0 : i32
    %dma_start3A_3 = arith.constant 0 : i32
    %dma_start3A_4 = tpu.memref_slice %arg2[%dma_start3A, %dma_start3A_3] : memref<8192x32xf32, #tpu.memory_space<hbm>> -> memref<8192x32xf32, #tpu.memory_space<hbm>>
    tpu.enqueue_indirect_dma source(%dma_start3A_4 : memref<8192x32xf32, #tpu.memory_space<hbm>>) target(%arg6 : memref<256x32xf32, #tpu.memory_space<vmem>>) offsets(%arg5 : memref<256xi32, #tpu.memory_space<vmem>>) semaphore(%arg7 : memref<!tpu.dma_semaphore, #tpu.memory_space<semaphore_mem>>)
    %dma_wait3A = arith.constant 0 : i32
    %dma_wait3A_5 = arith.constant 0 : i32
    %dma_wait3A_6 = tpu.memref_slice %arg2[%dma_wait3A, %dma_wait3A_5] : memref<8192x32xf32, #tpu.memory_space<hbm>> -> memref<8192x32xf32, #tpu.memory_space<hbm>>
    tpu.wait_indirect_dma semaphore(%arg7 : memref<!tpu.dma_semaphore, #tpu.memory_space<semaphore_mem>>) src(%dma_wait3A_6 : memref<8192x32xf32, #tpu.memory_space<hbm>>) dst(%arg6 : memref<256x32xf32, #tpu.memory_space<vmem>>)
    "tpu.region"() ({
      %run_scoped3A = tpu.sem_alloc : memref<!tpu.dma_semaphore, #tpu.memory_space<semaphore_mem>>
      %dma_start3A_7 = arith.constant 0 : i32
      %dma_start3A_8 = tpu.memref_slice %arg4[%mul3A_2, %dma_start3A_7] : memref<8192x32xf32, #tpu.memory_space<hbm>> -> memref<256x32xf32, #tpu.memory_space<hbm>>
      %dma_start3A_9 = arith.constant 0 : i32
      %dma_start3A_10 = tpu.memref_slice %arg4[%mul3A_2, %dma_start3A_9] : memref<8192x32xf32, #tpu.memory_space<hbm>> -> memref<256x32xf32, #tpu.memory_space<hbm>>
      tpu.enqueue_dma source(%arg6 : memref<256x32xf32, #tpu.memory_space<vmem>>) target(%dma_start3A_10 : memref<256x32xf32, #tpu.memory_space<hbm>>) target_semaphore(%run_scoped3A : memref<!tpu.dma_semaphore, #tpu.memory_space<semaphore_mem>>)
      %dma_wait3A_11 = arith.constant 0 : i32
      %dma_wait3A_12 = tpu.memref_slice %arg4[%mul3A_2, %dma_wait3A_11] : memref<8192x32xf32, #tpu.memory_space<hbm>> -> memref<256x32xf32, #tpu.memory_space<hbm>>
      %dma_wait3A_13 = arith.constant 0 : i32
      %dma_wait3A_14 = tpu.memref_slice %arg4[%mul3A_2, %dma_wait3A_13] : memref<8192x32xf32, #tpu.memory_space<hbm>> -> memref<256x32xf32, #tpu.memory_space<hbm>>
      tpu.wait_dma2 semaphore(%run_scoped3A : memref<!tpu.dma_semaphore, #tpu.memory_space<semaphore_mem>>) src(%arg6 : memref<256x32xf32, #tpu.memory_space<vmem>>) dst(%dma_wait3A_14 : memref<256x32xf32, #tpu.memory_space<hbm>>)
      tpu.yield
    }) : () -> ()
    return
  }
}

module attributes {stable_mosaic.version = 14 : i64} {
  func.func @_argmin_body(%arg0: i32, %arg1: memref<1024x32xf32, #tpu.memory_space<vmem>>, %arg2: memref<32x8192xf32, #tpu.memory_space<vmem>>, %arg3: memref<1024x1xf32, #tpu.memory_space<vmem>>, %arg4: memref<1x8192xf32, #tpu.memory_space<vmem>>, %arg5: memref<1024x1xi32, #tpu.memory_space<vmem>>, %arg6: memref<1x1xf32, #tpu.memory_space<vmem>>, %arg7: memref<1x1xf32, #tpu.memory_space<vmem>>) attributes {dimension_semantics = [#tpu.dimension_semantics<arbitrary>], iteration_bounds = array<i64: 8>, scalar_prefetch = 0 : i64, scratch_operands = 1 : i64, tpu.core_type = #tpu.core_type<tc>, window_params = [{transform_indices = @transform_0, window_bounds = array<i64: 1024, 32>}, {pipeline_mode = #tpu.pipeline_mode<synchronous>, transform_indices = @transform_1, window_bounds = array<i64: 32, 8192>}, {transform_indices = @transform_2, window_bounds = array<i64: 1024, 1>}, {pipeline_mode = #tpu.pipeline_mode<synchronous>, transform_indices = @transform_3, window_bounds = array<i64: 1, 8192>}, {transform_indices = @transform_4, window_bounds = array<i64: 1024, 1>}, {pipeline_mode = #tpu.pipeline_mode<synchronous>, transform_indices = @transform_5, window_bounds = array<i64: 1, 1>}]} {
    %get3A = arith.constant 0 : index
    %get3A_0 = arith.constant 0 : index
    %get3A_1 = vector.load %arg1[%get3A, %get3A_0] : memref<1024x32xf32, #tpu.memory_space<vmem>>, vector<1024x32xf32>
    %mul3A = arith.constant 2.000000e+00 : f32
    %mul3A_2 = vector.broadcast %mul3A : f32 to vector<1024x32xf32>
    %mul3A_3 = arith.mulf %get3A_1, %mul3A_2 : vector<1024x32xf32>
    %get3A_4 = arith.constant 0 : index
    %get3A_5 = arith.constant 0 : index
    %get3A_6 = vector.load %arg2[%get3A_4, %get3A_5] : memref<32x8192xf32, #tpu.memory_space<vmem>>, vector<32x8192xf32>
    %dot_general3A = arith.constant dense<0.000000e+00> : vector<1024x8192xf32>
    %dot_general3A_7 = tpu.matmul %mul3A_3, %get3A_6, %dot_general3A {dimension_numbers = #tpu.dot_dimension_numbers<[1], [0], [0], [1], [0, 0, 1, 1], [], []>, transpose_lhs_hint = false} : vector<1024x32xf32>, vector<32x8192xf32>, vector<1024x8192xf32> -> vector<1024x8192xf32>
    %get3A_8 = arith.constant 0 : index
    %get3A_9 = arith.constant 0 : index
    %get3A_10 = vector.load %arg3[%get3A_8, %get3A_9] : memref<1024x1xf32, #tpu.memory_space<vmem>>, vector<1024x1xf32>
    %slice3A = vector.extract_strided_slice %dot_general3A_7 {offsets = [0, 0], sizes = [1024, 128], strides = [1, 1]} : vector<1024x8192xf32> to vector<1024x128xf32>
    %sub3A = vector.broadcast %get3A_10 : vector<1024x1xf32> to vector<1024x128xf32>
    %sub3A_11 = arith.subf %sub3A, %slice3A : vector<1024x128xf32>
    %get3A_12 = arith.constant 0 : index
    %get3A_13 = arith.constant 0 : index
    %get3A_14 = vector.load %arg4[%get3A_12, %get3A_13] : memref<1x8192xf32, #tpu.memory_space<vmem>>, vector<1x128xf32>
    %add3A = vector.broadcast %get3A_14 : vector<1x128xf32> to vector<1024x128xf32>
    %add3A_15 = arith.addf %sub3A_11, %add3A : vector<1024x128xf32>
    %broadcast_in_dim3A = arith.constant 0 : i32
    %broadcast_in_dim3A_16 = vector.broadcast %broadcast_in_dim3A : i32 to vector<1024x128xi32>
    %slice3A_17 = vector.extract_strided_slice %dot_general3A_7 {offsets = [0, 128], sizes = [1024, 128], strides = [1, 1]} : vector<1024x8192xf32> to vector<1024x128xf32>
    %sub3A_18 = vector.broadcast %get3A_10 : vector<1024x1xf32> to vector<1024x128xf32>
    %sub3A_19 = arith.subf %sub3A_18, %slice3A_17 : vector<1024x128xf32>
    %get3A_20 = arith.constant 0 : index
    %get3A_21 = arith.constant 128 : index
    %get3A_22 = vector.load %arg4[%get3A_20, %get3A_21] : memref<1x8192xf32, #tpu.memory_space<vmem>>, vector<1x128xf32>
    %add3A_23 = vector.broadcast %get3A_22 : vector<1x128xf32> to vector<1024x128xf32>
    %add3A_24 = arith.addf %sub3A_19, %add3A_23 : vector<1024x128xf32>
    %lt3A = arith.cmpf olt, %add3A_24, %add3A_15 : vector<1024x128xf32>
    %select_n3A = arith.select %lt3A, %add3A_24, %add3A_15 : vector<1024x128xi1>, vector<1024x128xf32>
    %jit3A = arith.constant 1 : i32
    %broadcast_in_dim3A_25 = vector.broadcast %jit3A : i32 to vector<1024x128xi32>
    %select_n3A_26 = arith.select %lt3A, %broadcast_in_dim3A_25, %broadcast_in_dim3A_16 : vector<1024x128xi1>, vector<1024x128xi32>
    %slice3A_27 = vector.extract_strided_slice %dot_general3A_7 {offsets = [0, 256], sizes = [1024, 128], strides = [1, 1]} : vector<1024x8192xf32> to vector<1024x128xf32>
    %sub3A_28 = vector.broadcast %get3A_10 : vector<1024x1xf32> to vector<1024x128xf32>
    %sub3A_29 = arith.subf %sub3A_28, %slice3A_27 : vector<1024x128xf32>
    %get3A_30 = arith.constant 0 : index
    %get3A_31 = arith.constant 256 : index
    %get3A_32 = vector.load %arg4[%get3A_30, %get3A_31] : memref<1x8192xf32, #tpu.memory_space<vmem>>, vector<1x128xf32>
    %add3A_33 = vector.broadcast %get3A_32 : vector<1x128xf32> to vector<1024x128xf32>
    %add3A_34 = arith.addf %sub3A_29, %add3A_33 : vector<1024x128xf32>
    %lt3A_35 = arith.cmpf olt, %add3A_34, %select_n3A : vector<1024x128xf32>
    %select_n3A_36 = arith.select %lt3A_35, %add3A_34, %select_n3A : vector<1024x128xi1>, vector<1024x128xf32>
    %jit3A_37 = arith.constant 2 : i32
    %broadcast_in_dim3A_38 = vector.broadcast %jit3A_37 : i32 to vector<1024x128xi32>
    %select_n3A_39 = arith.select %lt3A_35, %broadcast_in_dim3A_38, %select_n3A_26 : vector<1024x128xi1>, vector<1024x128xi32>
    %slice3A_40 = vector.extract_strided_slice %dot_general3A_7 {offsets = [0, 384], sizes = [1024, 128], strides = [1, 1]} : vector<1024x8192xf32> to vector<1024x128xf32>
    %sub3A_41 = vector.broadcast %get3A_10 : vector<1024x1xf32> to vector<1024x128xf32>
    %sub3A_42 = arith.subf %sub3A_41, %slice3A_40 : vector<1024x128xf32>
    %get3A_43 = arith.constant 0 : index
    %get3A_44 = arith.constant 384 : index
    %get3A_45 = vector.load %arg4[%get3A_43, %get3A_44] : memref<1x8192xf32, #tpu.memory_space<vmem>>, vector<1x128xf32>
    %add3A_46 = vector.broadcast %get3A_45 : vector<1x128xf32> to vector<1024x128xf32>
    %add3A_47 = arith.addf %sub3A_42, %add3A_46 : vector<1024x128xf32>
    %lt3A_48 = arith.cmpf olt, %add3A_47, %select_n3A_36 : vector<1024x128xf32>
    %select_n3A_49 = arith.select %lt3A_48, %add3A_47, %select_n3A_36 : vector<1024x128xi1>, vector<1024x128xf32>
    %jit3A_50 = arith.constant 3 : i32
    %broadcast_in_dim3A_51 = vector.broadcast %jit3A_50 : i32 to vector<1024x128xi32>
    %select_n3A_52 = arith.select %lt3A_48, %broadcast_in_dim3A_51, %select_n3A_39 : vector<1024x128xi1>, vector<1024x128xi32>
    %slice3A_53 = vector.extract_strided_slice %dot_general3A_7 {offsets = [0, 512], sizes = [1024, 128], strides = [1, 1]} : vector<1024x8192xf32> to vector<1024x128xf32>
    %sub3A_54 = vector.broadcast %get3A_10 : vector<1024x1xf32> to vector<1024x128xf32>
    %sub3A_55 = arith.subf %sub3A_54, %slice3A_53 : vector<1024x128xf32>
    %get3A_56 = arith.constant 0 : index
    %get3A_57 = arith.constant 512 : index
    %get3A_58 = vector.load %arg4[%get3A_56, %get3A_57] : memref<1x8192xf32, #tpu.memory_space<vmem>>, vector<1x128xf32>
    %add3A_59 = vector.broadcast %get3A_58 : vector<1x128xf32> to vector<1024x128xf32>
    %add3A_60 = arith.addf %sub3A_55, %add3A_59 : vector<1024x128xf32>
    %lt3A_61 = arith.cmpf olt, %add3A_60, %select_n3A_49 : vector<1024x128xf32>
    %select_n3A_62 = arith.select %lt3A_61, %add3A_60, %select_n3A_49 : vector<1024x128xi1>, vector<1024x128xf32>
    %jit3A_63 = arith.constant 4 : i32
    %broadcast_in_dim3A_64 = vector.broadcast %jit3A_63 : i32 to vector<1024x128xi32>
    %select_n3A_65 = arith.select %lt3A_61, %broadcast_in_dim3A_64, %select_n3A_52 : vector<1024x128xi1>, vector<1024x128xi32>
    %slice3A_66 = vector.extract_strided_slice %dot_general3A_7 {offsets = [0, 640], sizes = [1024, 128], strides = [1, 1]} : vector<1024x8192xf32> to vector<1024x128xf32>
    %sub3A_67 = vector.broadcast %get3A_10 : vector<1024x1xf32> to vector<1024x128xf32>
    %sub3A_68 = arith.subf %sub3A_67, %slice3A_66 : vector<1024x128xf32>
    %get3A_69 = arith.constant 0 : index
    %get3A_70 = arith.constant 640 : index
    %get3A_71 = vector.load %arg4[%get3A_69, %get3A_70] : memref<1x8192xf32, #tpu.memory_space<vmem>>, vector<1x128xf32>
    %add3A_72 = vector.broadcast %get3A_71 : vector<1x128xf32> to vector<1024x128xf32>
    %add3A_73 = arith.addf %sub3A_68, %add3A_72 : vector<1024x128xf32>
    %lt3A_74 = arith.cmpf olt, %add3A_73, %select_n3A_62 : vector<1024x128xf32>
    %select_n3A_75 = arith.select %lt3A_74, %add3A_73, %select_n3A_62 : vector<1024x128xi1>, vector<1024x128xf32>
    %jit3A_76 = arith.constant 5 : i32
    %broadcast_in_dim3A_77 = vector.broadcast %jit3A_76 : i32 to vector<1024x128xi32>
    %select_n3A_78 = arith.select %lt3A_74, %broadcast_in_dim3A_77, %select_n3A_65 : vector<1024x128xi1>, vector<1024x128xi32>
    %slice3A_79 = vector.extract_strided_slice %dot_general3A_7 {offsets = [0, 768], sizes = [1024, 128], strides = [1, 1]} : vector<1024x8192xf32> to vector<1024x128xf32>
    %sub3A_80 = vector.broadcast %get3A_10 : vector<1024x1xf32> to vector<1024x128xf32>
    %sub3A_81 = arith.subf %sub3A_80, %slice3A_79 : vector<1024x128xf32>
    %get3A_82 = arith.constant 0 : index
    %get3A_83 = arith.constant 768 : index
    %get3A_84 = vector.load %arg4[%get3A_82, %get3A_83] : memref<1x8192xf32, #tpu.memory_space<vmem>>, vector<1x128xf32>
    %add3A_85 = vector.broadcast %get3A_84 : vector<1x128xf32> to vector<1024x128xf32>
    %add3A_86 = arith.addf %sub3A_81, %add3A_85 : vector<1024x128xf32>
    %lt3A_87 = arith.cmpf olt, %add3A_86, %select_n3A_75 : vector<1024x128xf32>
    %select_n3A_88 = arith.select %lt3A_87, %add3A_86, %select_n3A_75 : vector<1024x128xi1>, vector<1024x128xf32>
    %jit3A_89 = arith.constant 6 : i32
    %broadcast_in_dim3A_90 = vector.broadcast %jit3A_89 : i32 to vector<1024x128xi32>
    %select_n3A_91 = arith.select %lt3A_87, %broadcast_in_dim3A_90, %select_n3A_78 : vector<1024x128xi1>, vector<1024x128xi32>
    %slice3A_92 = vector.extract_strided_slice %dot_general3A_7 {offsets = [0, 896], sizes = [1024, 128], strides = [1, 1]} : vector<1024x8192xf32> to vector<1024x128xf32>
    %sub3A_93 = vector.broadcast %get3A_10 : vector<1024x1xf32> to vector<1024x128xf32>
    %sub3A_94 = arith.subf %sub3A_93, %slice3A_92 : vector<1024x128xf32>
    %get3A_95 = arith.constant 0 : index
    %get3A_96 = arith.constant 896 : index
    %get3A_97 = vector.load %arg4[%get3A_95, %get3A_96] : memref<1x8192xf32, #tpu.memory_space<vmem>>, vector<1x128xf32>
    %add3A_98 = vector.broadcast %get3A_97 : vector<1x128xf32> to vector<1024x128xf32>
    %add3A_99 = arith.addf %sub3A_94, %add3A_98 : vector<1024x128xf32>
    %lt3A_100 = arith.cmpf olt, %add3A_99, %select_n3A_88 : vector<1024x128xf32>
    %select_n3A_101 = arith.select %lt3A_100, %add3A_99, %select_n3A_88 : vector<1024x128xi1>, vector<1024x128xf32>
    %jit3A_102 = arith.constant 7 : i32
    %broadcast_in_dim3A_103 = vector.broadcast %jit3A_102 : i32 to vector<1024x128xi32>
    %select_n3A_104 = arith.select %lt3A_100, %broadcast_in_dim3A_103, %select_n3A_91 : vector<1024x128xi1>, vector<1024x128xi32>
    %slice3A_105 = vector.extract_strided_slice %dot_general3A_7 {offsets = [0, 1024], sizes = [1024, 128], strides = [1, 1]} : vector<1024x8192xf32> to vector<1024x128xf32>
    %sub3A_106 = vector.broadcast %get3A_10 : vector<1024x1xf32> to vector<1024x128xf32>
    %sub3A_107 = arith.subf %sub3A_106, %slice3A_105 : vector<1024x128xf32>
    %get3A_108 = arith.constant 0 : index
    %get3A_109 = arith.constant 1024 : index
    %get3A_110 = vector.load %arg4[%get3A_108, %get3A_109] : memref<1x8192xf32, #tpu.memory_space<vmem>>, vector<1x128xf32>
    %add3A_111 = vector.broadcast %get3A_110 : vector<1x128xf32> to vector<1024x128xf32>
    %add3A_112 = arith.addf %sub3A_107, %add3A_111 : vector<1024x128xf32>
    %lt3A_113 = arith.cmpf olt, %add3A_112, %select_n3A_101 : vector<1024x128xf32>
    %select_n3A_114 = arith.select %lt3A_113, %add3A_112, %select_n3A_101 : vector<1024x128xi1>, vector<1024x128xf32>
    %jit3A_115 = arith.constant 8 : i32
    %broadcast_in_dim3A_116 = vector.broadcast %jit3A_115 : i32 to vector<1024x128xi32>
    %select_n3A_117 = arith.select %lt3A_113, %broadcast_in_dim3A_116, %select_n3A_104 : vector<1024x128xi1>, vector<1024x128xi32>
    %slice3A_118 = vector.extract_strided_slice %dot_general3A_7 {offsets = [0, 1152], sizes = [1024, 128], strides = [1, 1]} : vector<1024x8192xf32> to vector<1024x128xf32>
    %sub3A_119 = vector.broadcast %get3A_10 : vector<1024x1xf32> to vector<1024x128xf32>
    %sub3A_120 = arith.subf %sub3A_119, %slice3A_118 : vector<1024x128xf32>
    %get3A_121 = arith.constant 0 : index
    %get3A_122 = arith.constant 1152 : index
    %get3A_123 = vector.load %arg4[%get3A_121, %get3A_122] : memref<1x8192xf32, #tpu.memory_space<vmem>>, vector<1x128xf32>
    %add3A_124 = vector.broadcast %get3A_123 : vector<1x128xf32> to vector<1024x128xf32>
    %add3A_125 = arith.addf %sub3A_120, %add3A_124 : vector<1024x128xf32>
    %lt3A_126 = arith.cmpf olt, %add3A_125, %select_n3A_114 : vector<1024x128xf32>
    %select_n3A_127 = arith.select %lt3A_126, %add3A_125, %select_n3A_114 : vector<1024x128xi1>, vector<1024x128xf32>
    %jit3A_128 = arith.constant 9 : i32
    %broadcast_in_dim3A_129 = vector.broadcast %jit3A_128 : i32 to vector<1024x128xi32>
    %select_n3A_130 = arith.select %lt3A_126, %broadcast_in_dim3A_129, %select_n3A_117 : vector<1024x128xi1>, vector<1024x128xi32>
    %slice3A_131 = vector.extract_strided_slice %dot_general3A_7 {offsets = [0, 1280], sizes = [1024, 128], strides = [1, 1]} : vector<1024x8192xf32> to vector<1024x128xf32>
    %sub3A_132 = vector.broadcast %get3A_10 : vector<1024x1xf32> to vector<1024x128xf32>
    %sub3A_133 = arith.subf %sub3A_132, %slice3A_131 : vector<1024x128xf32>
    %get3A_134 = arith.constant 0 : index
    %get3A_135 = arith.constant 1280 : index
    %get3A_136 = vector.load %arg4[%get3A_134, %get3A_135] : memref<1x8192xf32, #tpu.memory_space<vmem>>, vector<1x128xf32>
    %add3A_137 = vector.broadcast %get3A_136 : vector<1x128xf32> to vector<1024x128xf32>
    %add3A_138 = arith.addf %sub3A_133, %add3A_137 : vector<1024x128xf32>
    %lt3A_139 = arith.cmpf olt, %add3A_138, %select_n3A_127 : vector<1024x128xf32>
    %select_n3A_140 = arith.select %lt3A_139, %add3A_138, %select_n3A_127 : vector<1024x128xi1>, vector<1024x128xf32>
    %jit3A_141 = arith.constant 10 : i32
    %broadcast_in_dim3A_142 = vector.broadcast %jit3A_141 : i32 to vector<1024x128xi32>
    %select_n3A_143 = arith.select %lt3A_139, %broadcast_in_dim3A_142, %select_n3A_130 : vector<1024x128xi1>, vector<1024x128xi32>
    %slice3A_144 = vector.extract_strided_slice %dot_general3A_7 {offsets = [0, 1408], sizes = [1024, 128], strides = [1, 1]} : vector<1024x8192xf32> to vector<1024x128xf32>
    %sub3A_145 = vector.broadcast %get3A_10 : vector<1024x1xf32> to vector<1024x128xf32>
    %sub3A_146 = arith.subf %sub3A_145, %slice3A_144 : vector<1024x128xf32>
    %get3A_147 = arith.constant 0 : index
    %get3A_148 = arith.constant 1408 : index
    %get3A_149 = vector.load %arg4[%get3A_147, %get3A_148] : memref<1x8192xf32, #tpu.memory_space<vmem>>, vector<1x128xf32>
    %add3A_150 = vector.broadcast %get3A_149 : vector<1x128xf32> to vector<1024x128xf32>
    %add3A_151 = arith.addf %sub3A_146, %add3A_150 : vector<1024x128xf32>
    %lt3A_152 = arith.cmpf olt, %add3A_151, %select_n3A_140 : vector<1024x128xf32>
    %select_n3A_153 = arith.select %lt3A_152, %add3A_151, %select_n3A_140 : vector<1024x128xi1>, vector<1024x128xf32>
    %jit3A_154 = arith.constant 11 : i32
    %broadcast_in_dim3A_155 = vector.broadcast %jit3A_154 : i32 to vector<1024x128xi32>
    %select_n3A_156 = arith.select %lt3A_152, %broadcast_in_dim3A_155, %select_n3A_143 : vector<1024x128xi1>, vector<1024x128xi32>
    %slice3A_157 = vector.extract_strided_slice %dot_general3A_7 {offsets = [0, 1536], sizes = [1024, 128], strides = [1, 1]} : vector<1024x8192xf32> to vector<1024x128xf32>
    %sub3A_158 = vector.broadcast %get3A_10 : vector<1024x1xf32> to vector<1024x128xf32>
    %sub3A_159 = arith.subf %sub3A_158, %slice3A_157 : vector<1024x128xf32>
    %get3A_160 = arith.constant 0 : index
    %get3A_161 = arith.constant 1536 : index
    %get3A_162 = vector.load %arg4[%get3A_160, %get3A_161] : memref<1x8192xf32, #tpu.memory_space<vmem>>, vector<1x128xf32>
    %add3A_163 = vector.broadcast %get3A_162 : vector<1x128xf32> to vector<1024x128xf32>
    %add3A_164 = arith.addf %sub3A_159, %add3A_163 : vector<1024x128xf32>
    %lt3A_165 = arith.cmpf olt, %add3A_164, %select_n3A_153 : vector<1024x128xf32>
    %select_n3A_166 = arith.select %lt3A_165, %add3A_164, %select_n3A_153 : vector<1024x128xi1>, vector<1024x128xf32>
    %jit3A_167 = arith.constant 12 : i32
    %broadcast_in_dim3A_168 = vector.broadcast %jit3A_167 : i32 to vector<1024x128xi32>
    %select_n3A_169 = arith.select %lt3A_165, %broadcast_in_dim3A_168, %select_n3A_156 : vector<1024x128xi1>, vector<1024x128xi32>
    %slice3A_170 = vector.extract_strided_slice %dot_general3A_7 {offsets = [0, 1664], sizes = [1024, 128], strides = [1, 1]} : vector<1024x8192xf32> to vector<1024x128xf32>
    %sub3A_171 = vector.broadcast %get3A_10 : vector<1024x1xf32> to vector<1024x128xf32>
    %sub3A_172 = arith.subf %sub3A_171, %slice3A_170 : vector<1024x128xf32>
    %get3A_173 = arith.constant 0 : index
    %get3A_174 = arith.constant 1664 : index
    %get3A_175 = vector.load %arg4[%get3A_173, %get3A_174] : memref<1x8192xf32, #tpu.memory_space<vmem>>, vector<1x128xf32>
    %add3A_176 = vector.broadcast %get3A_175 : vector<1x128xf32> to vector<1024x128xf32>
    %add3A_177 = arith.addf %sub3A_172, %add3A_176 : vector<1024x128xf32>
    %lt3A_178 = arith.cmpf olt, %add3A_177, %select_n3A_166 : vector<1024x128xf32>
    %select_n3A_179 = arith.select %lt3A_178, %add3A_177, %select_n3A_166 : vector<1024x128xi1>, vector<1024x128xf32>
    %jit3A_180 = arith.constant 13 : i32
    %broadcast_in_dim3A_181 = vector.broadcast %jit3A_180 : i32 to vector<1024x128xi32>
    %select_n3A_182 = arith.select %lt3A_178, %broadcast_in_dim3A_181, %select_n3A_169 : vector<1024x128xi1>, vector<1024x128xi32>
    %slice3A_183 = vector.extract_strided_slice %dot_general3A_7 {offsets = [0, 1792], sizes = [1024, 128], strides = [1, 1]} : vector<1024x8192xf32> to vector<1024x128xf32>
    %sub3A_184 = vector.broadcast %get3A_10 : vector<1024x1xf32> to vector<1024x128xf32>
    %sub3A_185 = arith.subf %sub3A_184, %slice3A_183 : vector<1024x128xf32>
    %get3A_186 = arith.constant 0 : index
    %get3A_187 = arith.constant 1792 : index
    %get3A_188 = vector.load %arg4[%get3A_186, %get3A_187] : memref<1x8192xf32, #tpu.memory_space<vmem>>, vector<1x128xf32>
    %add3A_189 = vector.broadcast %get3A_188 : vector<1x128xf32> to vector<1024x128xf32>
    %add3A_190 = arith.addf %sub3A_185, %add3A_189 : vector<1024x128xf32>
    %lt3A_191 = arith.cmpf olt, %add3A_190, %select_n3A_179 : vector<1024x128xf32>
    %select_n3A_192 = arith.select %lt3A_191, %add3A_190, %select_n3A_179 : vector<1024x128xi1>, vector<1024x128xf32>
    %jit3A_193 = arith.constant 14 : i32
    %broadcast_in_dim3A_194 = vector.broadcast %jit3A_193 : i32 to vector<1024x128xi32>
    %select_n3A_195 = arith.select %lt3A_191, %broadcast_in_dim3A_194, %select_n3A_182 : vector<1024x128xi1>, vector<1024x128xi32>
    %slice3A_196 = vector.extract_strided_slice %dot_general3A_7 {offsets = [0, 1920], sizes = [1024, 128], strides = [1, 1]} : vector<1024x8192xf32> to vector<1024x128xf32>
    %sub3A_197 = vector.broadcast %get3A_10 : vector<1024x1xf32> to vector<1024x128xf32>
    %sub3A_198 = arith.subf %sub3A_197, %slice3A_196 : vector<1024x128xf32>
    %get3A_199 = arith.constant 0 : index
    %get3A_200 = arith.constant 1920 : index
    %get3A_201 = vector.load %arg4[%get3A_199, %get3A_200] : memref<1x8192xf32, #tpu.memory_space<vmem>>, vector<1x128xf32>
    %add3A_202 = vector.broadcast %get3A_201 : vector<1x128xf32> to vector<1024x128xf32>
    %add3A_203 = arith.addf %sub3A_198, %add3A_202 : vector<1024x128xf32>
    %lt3A_204 = arith.cmpf olt, %add3A_203, %select_n3A_192 : vector<1024x128xf32>
    %select_n3A_205 = arith.select %lt3A_204, %add3A_203, %select_n3A_192 : vector<1024x128xi1>, vector<1024x128xf32>
    %jit3A_206 = arith.constant 15 : i32
    %broadcast_in_dim3A_207 = vector.broadcast %jit3A_206 : i32 to vector<1024x128xi32>
    %select_n3A_208 = arith.select %lt3A_204, %broadcast_in_dim3A_207, %select_n3A_195 : vector<1024x128xi1>, vector<1024x128xi32>
    %slice3A_209 = vector.extract_strided_slice %dot_general3A_7 {offsets = [0, 2048], sizes = [1024, 128], strides = [1, 1]} : vector<1024x8192xf32> to vector<1024x128xf32>
    %sub3A_210 = vector.broadcast %get3A_10 : vector<1024x1xf32> to vector<1024x128xf32>
    %sub3A_211 = arith.subf %sub3A_210, %slice3A_209 : vector<1024x128xf32>
    %get3A_212 = arith.constant 0 : index
    %get3A_213 = arith.constant 2048 : index
    %get3A_214 = vector.load %arg4[%get3A_212, %get3A_213] : memref<1x8192xf32, #tpu.memory_space<vmem>>, vector<1x128xf32>
    %add3A_215 = vector.broadcast %get3A_214 : vector<1x128xf32> to vector<1024x128xf32>
    %add3A_216 = arith.addf %sub3A_211, %add3A_215 : vector<1024x128xf32>
    %lt3A_217 = arith.cmpf olt, %add3A_216, %select_n3A_205 : vector<1024x128xf32>
    %select_n3A_218 = arith.select %lt3A_217, %add3A_216, %select_n3A_205 : vector<1024x128xi1>, vector<1024x128xf32>
    %jit3A_219 = arith.constant 16 : i32
    %broadcast_in_dim3A_220 = vector.broadcast %jit3A_219 : i32 to vector<1024x128xi32>
    %select_n3A_221 = arith.select %lt3A_217, %broadcast_in_dim3A_220, %select_n3A_208 : vector<1024x128xi1>, vector<1024x128xi32>
    %slice3A_222 = vector.extract_strided_slice %dot_general3A_7 {offsets = [0, 2176], sizes = [1024, 128], strides = [1, 1]} : vector<1024x8192xf32> to vector<1024x128xf32>
    %sub3A_223 = vector.broadcast %get3A_10 : vector<1024x1xf32> to vector<1024x128xf32>
    %sub3A_224 = arith.subf %sub3A_223, %slice3A_222 : vector<1024x128xf32>
    %get3A_225 = arith.constant 0 : index
    %get3A_226 = arith.constant 2176 : index
    %get3A_227 = vector.load %arg4[%get3A_225, %get3A_226] : memref<1x8192xf32, #tpu.memory_space<vmem>>, vector<1x128xf32>
    %add3A_228 = vector.broadcast %get3A_227 : vector<1x128xf32> to vector<1024x128xf32>
    %add3A_229 = arith.addf %sub3A_224, %add3A_228 : vector<1024x128xf32>
    %lt3A_230 = arith.cmpf olt, %add3A_229, %select_n3A_218 : vector<1024x128xf32>
    %select_n3A_231 = arith.select %lt3A_230, %add3A_229, %select_n3A_218 : vector<1024x128xi1>, vector<1024x128xf32>
    %jit3A_232 = arith.constant 17 : i32
    %broadcast_in_dim3A_233 = vector.broadcast %jit3A_232 : i32 to vector<1024x128xi32>
    %select_n3A_234 = arith.select %lt3A_230, %broadcast_in_dim3A_233, %select_n3A_221 : vector<1024x128xi1>, vector<1024x128xi32>
    %slice3A_235 = vector.extract_strided_slice %dot_general3A_7 {offsets = [0, 2304], sizes = [1024, 128], strides = [1, 1]} : vector<1024x8192xf32> to vector<1024x128xf32>
    %sub3A_236 = vector.broadcast %get3A_10 : vector<1024x1xf32> to vector<1024x128xf32>
    %sub3A_237 = arith.subf %sub3A_236, %slice3A_235 : vector<1024x128xf32>
    %get3A_238 = arith.constant 0 : index
    %get3A_239 = arith.constant 2304 : index
    %get3A_240 = vector.load %arg4[%get3A_238, %get3A_239] : memref<1x8192xf32, #tpu.memory_space<vmem>>, vector<1x128xf32>
    %add3A_241 = vector.broadcast %get3A_240 : vector<1x128xf32> to vector<1024x128xf32>
    %add3A_242 = arith.addf %sub3A_237, %add3A_241 : vector<1024x128xf32>
    %lt3A_243 = arith.cmpf olt, %add3A_242, %select_n3A_231 : vector<1024x128xf32>
    %select_n3A_244 = arith.select %lt3A_243, %add3A_242, %select_n3A_231 : vector<1024x128xi1>, vector<1024x128xf32>
    %jit3A_245 = arith.constant 18 : i32
    %broadcast_in_dim3A_246 = vector.broadcast %jit3A_245 : i32 to vector<1024x128xi32>
    %select_n3A_247 = arith.select %lt3A_243, %broadcast_in_dim3A_246, %select_n3A_234 : vector<1024x128xi1>, vector<1024x128xi32>
    %slice3A_248 = vector.extract_strided_slice %dot_general3A_7 {offsets = [0, 2432], sizes = [1024, 128], strides = [1, 1]} : vector<1024x8192xf32> to vector<1024x128xf32>
    %sub3A_249 = vector.broadcast %get3A_10 : vector<1024x1xf32> to vector<1024x128xf32>
    %sub3A_250 = arith.subf %sub3A_249, %slice3A_248 : vector<1024x128xf32>
    %get3A_251 = arith.constant 0 : index
    %get3A_252 = arith.constant 2432 : index
    %get3A_253 = vector.load %arg4[%get3A_251, %get3A_252] : memref<1x8192xf32, #tpu.memory_space<vmem>>, vector<1x128xf32>
    %add3A_254 = vector.broadcast %get3A_253 : vector<1x128xf32> to vector<1024x128xf32>
    %add3A_255 = arith.addf %sub3A_250, %add3A_254 : vector<1024x128xf32>
    %lt3A_256 = arith.cmpf olt, %add3A_255, %select_n3A_244 : vector<1024x128xf32>
    %select_n3A_257 = arith.select %lt3A_256, %add3A_255, %select_n3A_244 : vector<1024x128xi1>, vector<1024x128xf32>
    %jit3A_258 = arith.constant 19 : i32
    %broadcast_in_dim3A_259 = vector.broadcast %jit3A_258 : i32 to vector<1024x128xi32>
    %select_n3A_260 = arith.select %lt3A_256, %broadcast_in_dim3A_259, %select_n3A_247 : vector<1024x128xi1>, vector<1024x128xi32>
    %slice3A_261 = vector.extract_strided_slice %dot_general3A_7 {offsets = [0, 2560], sizes = [1024, 128], strides = [1, 1]} : vector<1024x8192xf32> to vector<1024x128xf32>
    %sub3A_262 = vector.broadcast %get3A_10 : vector<1024x1xf32> to vector<1024x128xf32>
    %sub3A_263 = arith.subf %sub3A_262, %slice3A_261 : vector<1024x128xf32>
    %get3A_264 = arith.constant 0 : index
    %get3A_265 = arith.constant 2560 : index
    %get3A_266 = vector.load %arg4[%get3A_264, %get3A_265] : memref<1x8192xf32, #tpu.memory_space<vmem>>, vector<1x128xf32>
    %add3A_267 = vector.broadcast %get3A_266 : vector<1x128xf32> to vector<1024x128xf32>
    %add3A_268 = arith.addf %sub3A_263, %add3A_267 : vector<1024x128xf32>
    %lt3A_269 = arith.cmpf olt, %add3A_268, %select_n3A_257 : vector<1024x128xf32>
    %select_n3A_270 = arith.select %lt3A_269, %add3A_268, %select_n3A_257 : vector<1024x128xi1>, vector<1024x128xf32>
    %jit3A_271 = arith.constant 20 : i32
    %broadcast_in_dim3A_272 = vector.broadcast %jit3A_271 : i32 to vector<1024x128xi32>
    %select_n3A_273 = arith.select %lt3A_269, %broadcast_in_dim3A_272, %select_n3A_260 : vector<1024x128xi1>, vector<1024x128xi32>
    %slice3A_274 = vector.extract_strided_slice %dot_general3A_7 {offsets = [0, 2688], sizes = [1024, 128], strides = [1, 1]} : vector<1024x8192xf32> to vector<1024x128xf32>
    %sub3A_275 = vector.broadcast %get3A_10 : vector<1024x1xf32> to vector<1024x128xf32>
    %sub3A_276 = arith.subf %sub3A_275, %slice3A_274 : vector<1024x128xf32>
    %get3A_277 = arith.constant 0 : index
    %get3A_278 = arith.constant 2688 : index
    %get3A_279 = vector.load %arg4[%get3A_277, %get3A_278] : memref<1x8192xf32, #tpu.memory_space<vmem>>, vector<1x128xf32>
    %add3A_280 = vector.broadcast %get3A_279 : vector<1x128xf32> to vector<1024x128xf32>
    %add3A_281 = arith.addf %sub3A_276, %add3A_280 : vector<1024x128xf32>
    %lt3A_282 = arith.cmpf olt, %add3A_281, %select_n3A_270 : vector<1024x128xf32>
    %select_n3A_283 = arith.select %lt3A_282, %add3A_281, %select_n3A_270 : vector<1024x128xi1>, vector<1024x128xf32>
    %jit3A_284 = arith.constant 21 : i32
    %broadcast_in_dim3A_285 = vector.broadcast %jit3A_284 : i32 to vector<1024x128xi32>
    %select_n3A_286 = arith.select %lt3A_282, %broadcast_in_dim3A_285, %select_n3A_273 : vector<1024x128xi1>, vector<1024x128xi32>
    %slice3A_287 = vector.extract_strided_slice %dot_general3A_7 {offsets = [0, 2816], sizes = [1024, 128], strides = [1, 1]} : vector<1024x8192xf32> to vector<1024x128xf32>
    %sub3A_288 = vector.broadcast %get3A_10 : vector<1024x1xf32> to vector<1024x128xf32>
    %sub3A_289 = arith.subf %sub3A_288, %slice3A_287 : vector<1024x128xf32>
    %get3A_290 = arith.constant 0 : index
    %get3A_291 = arith.constant 2816 : index
    %get3A_292 = vector.load %arg4[%get3A_290, %get3A_291] : memref<1x8192xf32, #tpu.memory_space<vmem>>, vector<1x128xf32>
    %add3A_293 = vector.broadcast %get3A_292 : vector<1x128xf32> to vector<1024x128xf32>
    %add3A_294 = arith.addf %sub3A_289, %add3A_293 : vector<1024x128xf32>
    %lt3A_295 = arith.cmpf olt, %add3A_294, %select_n3A_283 : vector<1024x128xf32>
    %select_n3A_296 = arith.select %lt3A_295, %add3A_294, %select_n3A_283 : vector<1024x128xi1>, vector<1024x128xf32>
    %jit3A_297 = arith.constant 22 : i32
    %broadcast_in_dim3A_298 = vector.broadcast %jit3A_297 : i32 to vector<1024x128xi32>
    %select_n3A_299 = arith.select %lt3A_295, %broadcast_in_dim3A_298, %select_n3A_286 : vector<1024x128xi1>, vector<1024x128xi32>
    %slice3A_300 = vector.extract_strided_slice %dot_general3A_7 {offsets = [0, 2944], sizes = [1024, 128], strides = [1, 1]} : vector<1024x8192xf32> to vector<1024x128xf32>
    %sub3A_301 = vector.broadcast %get3A_10 : vector<1024x1xf32> to vector<1024x128xf32>
    %sub3A_302 = arith.subf %sub3A_301, %slice3A_300 : vector<1024x128xf32>
    %get3A_303 = arith.constant 0 : index
    %get3A_304 = arith.constant 2944 : index
    %get3A_305 = vector.load %arg4[%get3A_303, %get3A_304] : memref<1x8192xf32, #tpu.memory_space<vmem>>, vector<1x128xf32>
    %add3A_306 = vector.broadcast %get3A_305 : vector<1x128xf32> to vector<1024x128xf32>
    %add3A_307 = arith.addf %sub3A_302, %add3A_306 : vector<1024x128xf32>
    %lt3A_308 = arith.cmpf olt, %add3A_307, %select_n3A_296 : vector<1024x128xf32>
    %select_n3A_309 = arith.select %lt3A_308, %add3A_307, %select_n3A_296 : vector<1024x128xi1>, vector<1024x128xf32>
    %jit3A_310 = arith.constant 23 : i32
    %broadcast_in_dim3A_311 = vector.broadcast %jit3A_310 : i32 to vector<1024x128xi32>
    %select_n3A_312 = arith.select %lt3A_308, %broadcast_in_dim3A_311, %select_n3A_299 : vector<1024x128xi1>, vector<1024x128xi32>
    %slice3A_313 = vector.extract_strided_slice %dot_general3A_7 {offsets = [0, 3072], sizes = [1024, 128], strides = [1, 1]} : vector<1024x8192xf32> to vector<1024x128xf32>
    %sub3A_314 = vector.broadcast %get3A_10 : vector<1024x1xf32> to vector<1024x128xf32>
    %sub3A_315 = arith.subf %sub3A_314, %slice3A_313 : vector<1024x128xf32>
    %get3A_316 = arith.constant 0 : index
    %get3A_317 = arith.constant 3072 : index
    %get3A_318 = vector.load %arg4[%get3A_316, %get3A_317] : memref<1x8192xf32, #tpu.memory_space<vmem>>, vector<1x128xf32>
    %add3A_319 = vector.broadcast %get3A_318 : vector<1x128xf32> to vector<1024x128xf32>
    %add3A_320 = arith.addf %sub3A_315, %add3A_319 : vector<1024x128xf32>
    %lt3A_321 = arith.cmpf olt, %add3A_320, %select_n3A_309 : vector<1024x128xf32>
    %select_n3A_322 = arith.select %lt3A_321, %add3A_320, %select_n3A_309 : vector<1024x128xi1>, vector<1024x128xf32>
    %jit3A_323 = arith.constant 24 : i32
    %broadcast_in_dim3A_324 = vector.broadcast %jit3A_323 : i32 to vector<1024x128xi32>
    %select_n3A_325 = arith.select %lt3A_321, %broadcast_in_dim3A_324, %select_n3A_312 : vector<1024x128xi1>, vector<1024x128xi32>
    %slice3A_326 = vector.extract_strided_slice %dot_general3A_7 {offsets = [0, 3200], sizes = [1024, 128], strides = [1, 1]} : vector<1024x8192xf32> to vector<1024x128xf32>
    %sub3A_327 = vector.broadcast %get3A_10 : vector<1024x1xf32> to vector<1024x128xf32>
    %sub3A_328 = arith.subf %sub3A_327, %slice3A_326 : vector<1024x128xf32>
    %get3A_329 = arith.constant 0 : index
    %get3A_330 = arith.constant 3200 : index
    %get3A_331 = vector.load %arg4[%get3A_329, %get3A_330] : memref<1x8192xf32, #tpu.memory_space<vmem>>, vector<1x128xf32>
    %add3A_332 = vector.broadcast %get3A_331 : vector<1x128xf32> to vector<1024x128xf32>
    %add3A_333 = arith.addf %sub3A_328, %add3A_332 : vector<1024x128xf32>
    %lt3A_334 = arith.cmpf olt, %add3A_333, %select_n3A_322 : vector<1024x128xf32>
    %select_n3A_335 = arith.select %lt3A_334, %add3A_333, %select_n3A_322 : vector<1024x128xi1>, vector<1024x128xf32>
    %jit3A_336 = arith.constant 25 : i32
    %broadcast_in_dim3A_337 = vector.broadcast %jit3A_336 : i32 to vector<1024x128xi32>
    %select_n3A_338 = arith.select %lt3A_334, %broadcast_in_dim3A_337, %select_n3A_325 : vector<1024x128xi1>, vector<1024x128xi32>
    %slice3A_339 = vector.extract_strided_slice %dot_general3A_7 {offsets = [0, 3328], sizes = [1024, 128], strides = [1, 1]} : vector<1024x8192xf32> to vector<1024x128xf32>
    %sub3A_340 = vector.broadcast %get3A_10 : vector<1024x1xf32> to vector<1024x128xf32>
    %sub3A_341 = arith.subf %sub3A_340, %slice3A_339 : vector<1024x128xf32>
    %get3A_342 = arith.constant 0 : index
    %get3A_343 = arith.constant 3328 : index
    %get3A_344 = vector.load %arg4[%get3A_342, %get3A_343] : memref<1x8192xf32, #tpu.memory_space<vmem>>, vector<1x128xf32>
    %add3A_345 = vector.broadcast %get3A_344 : vector<1x128xf32> to vector<1024x128xf32>
    %add3A_346 = arith.addf %sub3A_341, %add3A_345 : vector<1024x128xf32>
    %lt3A_347 = arith.cmpf olt, %add3A_346, %select_n3A_335 : vector<1024x128xf32>
    %select_n3A_348 = arith.select %lt3A_347, %add3A_346, %select_n3A_335 : vector<1024x128xi1>, vector<1024x128xf32>
    %jit3A_349 = arith.constant 26 : i32
    %broadcast_in_dim3A_350 = vector.broadcast %jit3A_349 : i32 to vector<1024x128xi32>
    %select_n3A_351 = arith.select %lt3A_347, %broadcast_in_dim3A_350, %select_n3A_338 : vector<1024x128xi1>, vector<1024x128xi32>
    %slice3A_352 = vector.extract_strided_slice %dot_general3A_7 {offsets = [0, 3456], sizes = [1024, 128], strides = [1, 1]} : vector<1024x8192xf32> to vector<1024x128xf32>
    %sub3A_353 = vector.broadcast %get3A_10 : vector<1024x1xf32> to vector<1024x128xf32>
    %sub3A_354 = arith.subf %sub3A_353, %slice3A_352 : vector<1024x128xf32>
    %get3A_355 = arith.constant 0 : index
    %get3A_356 = arith.constant 3456 : index
    %get3A_357 = vector.load %arg4[%get3A_355, %get3A_356] : memref<1x8192xf32, #tpu.memory_space<vmem>>, vector<1x128xf32>
    %add3A_358 = vector.broadcast %get3A_357 : vector<1x128xf32> to vector<1024x128xf32>
    %add3A_359 = arith.addf %sub3A_354, %add3A_358 : vector<1024x128xf32>
    %lt3A_360 = arith.cmpf olt, %add3A_359, %select_n3A_348 : vector<1024x128xf32>
    %select_n3A_361 = arith.select %lt3A_360, %add3A_359, %select_n3A_348 : vector<1024x128xi1>, vector<1024x128xf32>
    %jit3A_362 = arith.constant 27 : i32
    %broadcast_in_dim3A_363 = vector.broadcast %jit3A_362 : i32 to vector<1024x128xi32>
    %select_n3A_364 = arith.select %lt3A_360, %broadcast_in_dim3A_363, %select_n3A_351 : vector<1024x128xi1>, vector<1024x128xi32>
    %slice3A_365 = vector.extract_strided_slice %dot_general3A_7 {offsets = [0, 3584], sizes = [1024, 128], strides = [1, 1]} : vector<1024x8192xf32> to vector<1024x128xf32>
    %sub3A_366 = vector.broadcast %get3A_10 : vector<1024x1xf32> to vector<1024x128xf32>
    %sub3A_367 = arith.subf %sub3A_366, %slice3A_365 : vector<1024x128xf32>
    %get3A_368 = arith.constant 0 : index
    %get3A_369 = arith.constant 3584 : index
    %get3A_370 = vector.load %arg4[%get3A_368, %get3A_369] : memref<1x8192xf32, #tpu.memory_space<vmem>>, vector<1x128xf32>
    %add3A_371 = vector.broadcast %get3A_370 : vector<1x128xf32> to vector<1024x128xf32>
    %add3A_372 = arith.addf %sub3A_367, %add3A_371 : vector<1024x128xf32>
    %lt3A_373 = arith.cmpf olt, %add3A_372, %select_n3A_361 : vector<1024x128xf32>
    %select_n3A_374 = arith.select %lt3A_373, %add3A_372, %select_n3A_361 : vector<1024x128xi1>, vector<1024x128xf32>
    %jit3A_375 = arith.constant 28 : i32
    %broadcast_in_dim3A_376 = vector.broadcast %jit3A_375 : i32 to vector<1024x128xi32>
    %select_n3A_377 = arith.select %lt3A_373, %broadcast_in_dim3A_376, %select_n3A_364 : vector<1024x128xi1>, vector<1024x128xi32>
    %slice3A_378 = vector.extract_strided_slice %dot_general3A_7 {offsets = [0, 3712], sizes = [1024, 128], strides = [1, 1]} : vector<1024x8192xf32> to vector<1024x128xf32>
    %sub3A_379 = vector.broadcast %get3A_10 : vector<1024x1xf32> to vector<1024x128xf32>
    %sub3A_380 = arith.subf %sub3A_379, %slice3A_378 : vector<1024x128xf32>
    %get3A_381 = arith.constant 0 : index
    %get3A_382 = arith.constant 3712 : index
    %get3A_383 = vector.load %arg4[%get3A_381, %get3A_382] : memref<1x8192xf32, #tpu.memory_space<vmem>>, vector<1x128xf32>
    %add3A_384 = vector.broadcast %get3A_383 : vector<1x128xf32> to vector<1024x128xf32>
    %add3A_385 = arith.addf %sub3A_380, %add3A_384 : vector<1024x128xf32>
    %lt3A_386 = arith.cmpf olt, %add3A_385, %select_n3A_374 : vector<1024x128xf32>
    %select_n3A_387 = arith.select %lt3A_386, %add3A_385, %select_n3A_374 : vector<1024x128xi1>, vector<1024x128xf32>
    %jit3A_388 = arith.constant 29 : i32
    %broadcast_in_dim3A_389 = vector.broadcast %jit3A_388 : i32 to vector<1024x128xi32>
    %select_n3A_390 = arith.select %lt3A_386, %broadcast_in_dim3A_389, %select_n3A_377 : vector<1024x128xi1>, vector<1024x128xi32>
    %slice3A_391 = vector.extract_strided_slice %dot_general3A_7 {offsets = [0, 3840], sizes = [1024, 128], strides = [1, 1]} : vector<1024x8192xf32> to vector<1024x128xf32>
    %sub3A_392 = vector.broadcast %get3A_10 : vector<1024x1xf32> to vector<1024x128xf32>
    %sub3A_393 = arith.subf %sub3A_392, %slice3A_391 : vector<1024x128xf32>
    %get3A_394 = arith.constant 0 : index
    %get3A_395 = arith.constant 3840 : index
    %get3A_396 = vector.load %arg4[%get3A_394, %get3A_395] : memref<1x8192xf32, #tpu.memory_space<vmem>>, vector<1x128xf32>
    %add3A_397 = vector.broadcast %get3A_396 : vector<1x128xf32> to vector<1024x128xf32>
    %add3A_398 = arith.addf %sub3A_393, %add3A_397 : vector<1024x128xf32>
    %lt3A_399 = arith.cmpf olt, %add3A_398, %select_n3A_387 : vector<1024x128xf32>
    %select_n3A_400 = arith.select %lt3A_399, %add3A_398, %select_n3A_387 : vector<1024x128xi1>, vector<1024x128xf32>
    %jit3A_401 = arith.constant 30 : i32
    %broadcast_in_dim3A_402 = vector.broadcast %jit3A_401 : i32 to vector<1024x128xi32>
    %select_n3A_403 = arith.select %lt3A_399, %broadcast_in_dim3A_402, %select_n3A_390 : vector<1024x128xi1>, vector<1024x128xi32>
    %slice3A_404 = vector.extract_strided_slice %dot_general3A_7 {offsets = [0, 3968], sizes = [1024, 128], strides = [1, 1]} : vector<1024x8192xf32> to vector<1024x128xf32>
    %sub3A_405 = vector.broadcast %get3A_10 : vector<1024x1xf32> to vector<1024x128xf32>
    %sub3A_406 = arith.subf %sub3A_405, %slice3A_404 : vector<1024x128xf32>
    %get3A_407 = arith.constant 0 : index
    %get3A_408 = arith.constant 3968 : index
    %get3A_409 = vector.load %arg4[%get3A_407, %get3A_408] : memref<1x8192xf32, #tpu.memory_space<vmem>>, vector<1x128xf32>
    %add3A_410 = vector.broadcast %get3A_409 : vector<1x128xf32> to vector<1024x128xf32>
    %add3A_411 = arith.addf %sub3A_406, %add3A_410 : vector<1024x128xf32>
    %lt3A_412 = arith.cmpf olt, %add3A_411, %select_n3A_400 : vector<1024x128xf32>
    %select_n3A_413 = arith.select %lt3A_412, %add3A_411, %select_n3A_400 : vector<1024x128xi1>, vector<1024x128xf32>
    %jit3A_414 = arith.constant 31 : i32
    %broadcast_in_dim3A_415 = vector.broadcast %jit3A_414 : i32 to vector<1024x128xi32>
    %select_n3A_416 = arith.select %lt3A_412, %broadcast_in_dim3A_415, %select_n3A_403 : vector<1024x128xi1>, vector<1024x128xi32>
    %slice3A_417 = vector.extract_strided_slice %dot_general3A_7 {offsets = [0, 4096], sizes = [1024, 128], strides = [1, 1]} : vector<1024x8192xf32> to vector<1024x128xf32>
    %sub3A_418 = vector.broadcast %get3A_10 : vector<1024x1xf32> to vector<1024x128xf32>
    %sub3A_419 = arith.subf %sub3A_418, %slice3A_417 : vector<1024x128xf32>
    %get3A_420 = arith.constant 0 : index
    %get3A_421 = arith.constant 4096 : index
    %get3A_422 = vector.load %arg4[%get3A_420, %get3A_421] : memref<1x8192xf32, #tpu.memory_space<vmem>>, vector<1x128xf32>
    %add3A_423 = vector.broadcast %get3A_422 : vector<1x128xf32> to vector<1024x128xf32>
    %add3A_424 = arith.addf %sub3A_419, %add3A_423 : vector<1024x128xf32>
    %lt3A_425 = arith.cmpf olt, %add3A_424, %select_n3A_413 : vector<1024x128xf32>
    %select_n3A_426 = arith.select %lt3A_425, %add3A_424, %select_n3A_413 : vector<1024x128xi1>, vector<1024x128xf32>
    %jit3A_427 = arith.constant 32 : i32
    %broadcast_in_dim3A_428 = vector.broadcast %jit3A_427 : i32 to vector<1024x128xi32>
    %select_n3A_429 = arith.select %lt3A_425, %broadcast_in_dim3A_428, %select_n3A_416 : vector<1024x128xi1>, vector<1024x128xi32>
    %slice3A_430 = vector.extract_strided_slice %dot_general3A_7 {offsets = [0, 4224], sizes = [1024, 128], strides = [1, 1]} : vector<1024x8192xf32> to vector<1024x128xf32>
    %sub3A_431 = vector.broadcast %get3A_10 : vector<1024x1xf32> to vector<1024x128xf32>
    %sub3A_432 = arith.subf %sub3A_431, %slice3A_430 : vector<1024x128xf32>
    %get3A_433 = arith.constant 0 : index
    %get3A_434 = arith.constant 4224 : index
    %get3A_435 = vector.load %arg4[%get3A_433, %get3A_434] : memref<1x8192xf32, #tpu.memory_space<vmem>>, vector<1x128xf32>
    %add3A_436 = vector.broadcast %get3A_435 : vector<1x128xf32> to vector<1024x128xf32>
    %add3A_437 = arith.addf %sub3A_432, %add3A_436 : vector<1024x128xf32>
    %lt3A_438 = arith.cmpf olt, %add3A_437, %select_n3A_426 : vector<1024x128xf32>
    %select_n3A_439 = arith.select %lt3A_438, %add3A_437, %select_n3A_426 : vector<1024x128xi1>, vector<1024x128xf32>
    %jit3A_440 = arith.constant 33 : i32
    %broadcast_in_dim3A_441 = vector.broadcast %jit3A_440 : i32 to vector<1024x128xi32>
    %select_n3A_442 = arith.select %lt3A_438, %broadcast_in_dim3A_441, %select_n3A_429 : vector<1024x128xi1>, vector<1024x128xi32>
    %slice3A_443 = vector.extract_strided_slice %dot_general3A_7 {offsets = [0, 4352], sizes = [1024, 128], strides = [1, 1]} : vector<1024x8192xf32> to vector<1024x128xf32>
    %sub3A_444 = vector.broadcast %get3A_10 : vector<1024x1xf32> to vector<1024x128xf32>
    %sub3A_445 = arith.subf %sub3A_444, %slice3A_443 : vector<1024x128xf32>
    %get3A_446 = arith.constant 0 : index
    %get3A_447 = arith.constant 4352 : index
    %get3A_448 = vector.load %arg4[%get3A_446, %get3A_447] : memref<1x8192xf32, #tpu.memory_space<vmem>>, vector<1x128xf32>
    %add3A_449 = vector.broadcast %get3A_448 : vector<1x128xf32> to vector<1024x128xf32>
    %add3A_450 = arith.addf %sub3A_445, %add3A_449 : vector<1024x128xf32>
    %lt3A_451 = arith.cmpf olt, %add3A_450, %select_n3A_439 : vector<1024x128xf32>
    %select_n3A_452 = arith.select %lt3A_451, %add3A_450, %select_n3A_439 : vector<1024x128xi1>, vector<1024x128xf32>
    %jit3A_453 = arith.constant 34 : i32
    %broadcast_in_dim3A_454 = vector.broadcast %jit3A_453 : i32 to vector<1024x128xi32>
    %select_n3A_455 = arith.select %lt3A_451, %broadcast_in_dim3A_454, %select_n3A_442 : vector<1024x128xi1>, vector<1024x128xi32>
    %slice3A_456 = vector.extract_strided_slice %dot_general3A_7 {offsets = [0, 4480], sizes = [1024, 128], strides = [1, 1]} : vector<1024x8192xf32> to vector<1024x128xf32>
    %sub3A_457 = vector.broadcast %get3A_10 : vector<1024x1xf32> to vector<1024x128xf32>
    %sub3A_458 = arith.subf %sub3A_457, %slice3A_456 : vector<1024x128xf32>
    %get3A_459 = arith.constant 0 : index
    %get3A_460 = arith.constant 4480 : index
    %get3A_461 = vector.load %arg4[%get3A_459, %get3A_460] : memref<1x8192xf32, #tpu.memory_space<vmem>>, vector<1x128xf32>
    %add3A_462 = vector.broadcast %get3A_461 : vector<1x128xf32> to vector<1024x128xf32>
    %add3A_463 = arith.addf %sub3A_458, %add3A_462 : vector<1024x128xf32>
    %lt3A_464 = arith.cmpf olt, %add3A_463, %select_n3A_452 : vector<1024x128xf32>
    %select_n3A_465 = arith.select %lt3A_464, %add3A_463, %select_n3A_452 : vector<1024x128xi1>, vector<1024x128xf32>
    %jit3A_466 = arith.constant 35 : i32
    %broadcast_in_dim3A_467 = vector.broadcast %jit3A_466 : i32 to vector<1024x128xi32>
    %select_n3A_468 = arith.select %lt3A_464, %broadcast_in_dim3A_467, %select_n3A_455 : vector<1024x128xi1>, vector<1024x128xi32>
    %slice3A_469 = vector.extract_strided_slice %dot_general3A_7 {offsets = [0, 4608], sizes = [1024, 128], strides = [1, 1]} : vector<1024x8192xf32> to vector<1024x128xf32>
    %sub3A_470 = vector.broadcast %get3A_10 : vector<1024x1xf32> to vector<1024x128xf32>
    %sub3A_471 = arith.subf %sub3A_470, %slice3A_469 : vector<1024x128xf32>
    %get3A_472 = arith.constant 0 : index
    %get3A_473 = arith.constant 4608 : index
    %get3A_474 = vector.load %arg4[%get3A_472, %get3A_473] : memref<1x8192xf32, #tpu.memory_space<vmem>>, vector<1x128xf32>
    %add3A_475 = vector.broadcast %get3A_474 : vector<1x128xf32> to vector<1024x128xf32>
    %add3A_476 = arith.addf %sub3A_471, %add3A_475 : vector<1024x128xf32>
    %lt3A_477 = arith.cmpf olt, %add3A_476, %select_n3A_465 : vector<1024x128xf32>
    %select_n3A_478 = arith.select %lt3A_477, %add3A_476, %select_n3A_465 : vector<1024x128xi1>, vector<1024x128xf32>
    %jit3A_479 = arith.constant 36 : i32
    %broadcast_in_dim3A_480 = vector.broadcast %jit3A_479 : i32 to vector<1024x128xi32>
    %select_n3A_481 = arith.select %lt3A_477, %broadcast_in_dim3A_480, %select_n3A_468 : vector<1024x128xi1>, vector<1024x128xi32>
    %slice3A_482 = vector.extract_strided_slice %dot_general3A_7 {offsets = [0, 4736], sizes = [1024, 128], strides = [1, 1]} : vector<1024x8192xf32> to vector<1024x128xf32>
    %sub3A_483 = vector.broadcast %get3A_10 : vector<1024x1xf32> to vector<1024x128xf32>
    %sub3A_484 = arith.subf %sub3A_483, %slice3A_482 : vector<1024x128xf32>
    %get3A_485 = arith.constant 0 : index
    %get3A_486 = arith.constant 4736 : index
    %get3A_487 = vector.load %arg4[%get3A_485, %get3A_486] : memref<1x8192xf32, #tpu.memory_space<vmem>>, vector<1x128xf32>
    %add3A_488 = vector.broadcast %get3A_487 : vector<1x128xf32> to vector<1024x128xf32>
    %add3A_489 = arith.addf %sub3A_484, %add3A_488 : vector<1024x128xf32>
    %lt3A_490 = arith.cmpf olt, %add3A_489, %select_n3A_478 : vector<1024x128xf32>
    %select_n3A_491 = arith.select %lt3A_490, %add3A_489, %select_n3A_478 : vector<1024x128xi1>, vector<1024x128xf32>
    %jit3A_492 = arith.constant 37 : i32
    %broadcast_in_dim3A_493 = vector.broadcast %jit3A_492 : i32 to vector<1024x128xi32>
    %select_n3A_494 = arith.select %lt3A_490, %broadcast_in_dim3A_493, %select_n3A_481 : vector<1024x128xi1>, vector<1024x128xi32>
    %slice3A_495 = vector.extract_strided_slice %dot_general3A_7 {offsets = [0, 4864], sizes = [1024, 128], strides = [1, 1]} : vector<1024x8192xf32> to vector<1024x128xf32>
    %sub3A_496 = vector.broadcast %get3A_10 : vector<1024x1xf32> to vector<1024x128xf32>
    %sub3A_497 = arith.subf %sub3A_496, %slice3A_495 : vector<1024x128xf32>
    %get3A_498 = arith.constant 0 : index
    %get3A_499 = arith.constant 4864 : index
    %get3A_500 = vector.load %arg4[%get3A_498, %get3A_499] : memref<1x8192xf32, #tpu.memory_space<vmem>>, vector<1x128xf32>
    %add3A_501 = vector.broadcast %get3A_500 : vector<1x128xf32> to vector<1024x128xf32>
    %add3A_502 = arith.addf %sub3A_497, %add3A_501 : vector<1024x128xf32>
    %lt3A_503 = arith.cmpf olt, %add3A_502, %select_n3A_491 : vector<1024x128xf32>
    %select_n3A_504 = arith.select %lt3A_503, %add3A_502, %select_n3A_491 : vector<1024x128xi1>, vector<1024x128xf32>
    %jit3A_505 = arith.constant 38 : i32
    %broadcast_in_dim3A_506 = vector.broadcast %jit3A_505 : i32 to vector<1024x128xi32>
    %select_n3A_507 = arith.select %lt3A_503, %broadcast_in_dim3A_506, %select_n3A_494 : vector<1024x128xi1>, vector<1024x128xi32>
    %slice3A_508 = vector.extract_strided_slice %dot_general3A_7 {offsets = [0, 4992], sizes = [1024, 128], strides = [1, 1]} : vector<1024x8192xf32> to vector<1024x128xf32>
    %sub3A_509 = vector.broadcast %get3A_10 : vector<1024x1xf32> to vector<1024x128xf32>
    %sub3A_510 = arith.subf %sub3A_509, %slice3A_508 : vector<1024x128xf32>
    %get3A_511 = arith.constant 0 : index
    %get3A_512 = arith.constant 4992 : index
    %get3A_513 = vector.load %arg4[%get3A_511, %get3A_512] : memref<1x8192xf32, #tpu.memory_space<vmem>>, vector<1x128xf32>
    %add3A_514 = vector.broadcast %get3A_513 : vector<1x128xf32> to vector<1024x128xf32>
    %add3A_515 = arith.addf %sub3A_510, %add3A_514 : vector<1024x128xf32>
    %lt3A_516 = arith.cmpf olt, %add3A_515, %select_n3A_504 : vector<1024x128xf32>
    %select_n3A_517 = arith.select %lt3A_516, %add3A_515, %select_n3A_504 : vector<1024x128xi1>, vector<1024x128xf32>
    %jit3A_518 = arith.constant 39 : i32
    %broadcast_in_dim3A_519 = vector.broadcast %jit3A_518 : i32 to vector<1024x128xi32>
    %select_n3A_520 = arith.select %lt3A_516, %broadcast_in_dim3A_519, %select_n3A_507 : vector<1024x128xi1>, vector<1024x128xi32>
    %slice3A_521 = vector.extract_strided_slice %dot_general3A_7 {offsets = [0, 5120], sizes = [1024, 128], strides = [1, 1]} : vector<1024x8192xf32> to vector<1024x128xf32>
    %sub3A_522 = vector.broadcast %get3A_10 : vector<1024x1xf32> to vector<1024x128xf32>
    %sub3A_523 = arith.subf %sub3A_522, %slice3A_521 : vector<1024x128xf32>
    %get3A_524 = arith.constant 0 : index
    %get3A_525 = arith.constant 5120 : index
    %get3A_526 = vector.load %arg4[%get3A_524, %get3A_525] : memref<1x8192xf32, #tpu.memory_space<vmem>>, vector<1x128xf32>
    %add3A_527 = vector.broadcast %get3A_526 : vector<1x128xf32> to vector<1024x128xf32>
    %add3A_528 = arith.addf %sub3A_523, %add3A_527 : vector<1024x128xf32>
    %lt3A_529 = arith.cmpf olt, %add3A_528, %select_n3A_517 : vector<1024x128xf32>
    %select_n3A_530 = arith.select %lt3A_529, %add3A_528, %select_n3A_517 : vector<1024x128xi1>, vector<1024x128xf32>
    %jit3A_531 = arith.constant 40 : i32
    %broadcast_in_dim3A_532 = vector.broadcast %jit3A_531 : i32 to vector<1024x128xi32>
    %select_n3A_533 = arith.select %lt3A_529, %broadcast_in_dim3A_532, %select_n3A_520 : vector<1024x128xi1>, vector<1024x128xi32>
    %slice3A_534 = vector.extract_strided_slice %dot_general3A_7 {offsets = [0, 5248], sizes = [1024, 128], strides = [1, 1]} : vector<1024x8192xf32> to vector<1024x128xf32>
    %sub3A_535 = vector.broadcast %get3A_10 : vector<1024x1xf32> to vector<1024x128xf32>
    %sub3A_536 = arith.subf %sub3A_535, %slice3A_534 : vector<1024x128xf32>
    %get3A_537 = arith.constant 0 : index
    %get3A_538 = arith.constant 5248 : index
    %get3A_539 = vector.load %arg4[%get3A_537, %get3A_538] : memref<1x8192xf32, #tpu.memory_space<vmem>>, vector<1x128xf32>
    %add3A_540 = vector.broadcast %get3A_539 : vector<1x128xf32> to vector<1024x128xf32>
    %add3A_541 = arith.addf %sub3A_536, %add3A_540 : vector<1024x128xf32>
    %lt3A_542 = arith.cmpf olt, %add3A_541, %select_n3A_530 : vector<1024x128xf32>
    %select_n3A_543 = arith.select %lt3A_542, %add3A_541, %select_n3A_530 : vector<1024x128xi1>, vector<1024x128xf32>
    %jit3A_544 = arith.constant 41 : i32
    %broadcast_in_dim3A_545 = vector.broadcast %jit3A_544 : i32 to vector<1024x128xi32>
    %select_n3A_546 = arith.select %lt3A_542, %broadcast_in_dim3A_545, %select_n3A_533 : vector<1024x128xi1>, vector<1024x128xi32>
    %slice3A_547 = vector.extract_strided_slice %dot_general3A_7 {offsets = [0, 5376], sizes = [1024, 128], strides = [1, 1]} : vector<1024x8192xf32> to vector<1024x128xf32>
    %sub3A_548 = vector.broadcast %get3A_10 : vector<1024x1xf32> to vector<1024x128xf32>
    %sub3A_549 = arith.subf %sub3A_548, %slice3A_547 : vector<1024x128xf32>
    %get3A_550 = arith.constant 0 : index
    %get3A_551 = arith.constant 5376 : index
    %get3A_552 = vector.load %arg4[%get3A_550, %get3A_551] : memref<1x8192xf32, #tpu.memory_space<vmem>>, vector<1x128xf32>
    %add3A_553 = vector.broadcast %get3A_552 : vector<1x128xf32> to vector<1024x128xf32>
    %add3A_554 = arith.addf %sub3A_549, %add3A_553 : vector<1024x128xf32>
    %lt3A_555 = arith.cmpf olt, %add3A_554, %select_n3A_543 : vector<1024x128xf32>
    %select_n3A_556 = arith.select %lt3A_555, %add3A_554, %select_n3A_543 : vector<1024x128xi1>, vector<1024x128xf32>
    %jit3A_557 = arith.constant 42 : i32
    %broadcast_in_dim3A_558 = vector.broadcast %jit3A_557 : i32 to vector<1024x128xi32>
    %select_n3A_559 = arith.select %lt3A_555, %broadcast_in_dim3A_558, %select_n3A_546 : vector<1024x128xi1>, vector<1024x128xi32>
    %slice3A_560 = vector.extract_strided_slice %dot_general3A_7 {offsets = [0, 5504], sizes = [1024, 128], strides = [1, 1]} : vector<1024x8192xf32> to vector<1024x128xf32>
    %sub3A_561 = vector.broadcast %get3A_10 : vector<1024x1xf32> to vector<1024x128xf32>
    %sub3A_562 = arith.subf %sub3A_561, %slice3A_560 : vector<1024x128xf32>
    %get3A_563 = arith.constant 0 : index
    %get3A_564 = arith.constant 5504 : index
    %get3A_565 = vector.load %arg4[%get3A_563, %get3A_564] : memref<1x8192xf32, #tpu.memory_space<vmem>>, vector<1x128xf32>
    %add3A_566 = vector.broadcast %get3A_565 : vector<1x128xf32> to vector<1024x128xf32>
    %add3A_567 = arith.addf %sub3A_562, %add3A_566 : vector<1024x128xf32>
    %lt3A_568 = arith.cmpf olt, %add3A_567, %select_n3A_556 : vector<1024x128xf32>
    %select_n3A_569 = arith.select %lt3A_568, %add3A_567, %select_n3A_556 : vector<1024x128xi1>, vector<1024x128xf32>
    %jit3A_570 = arith.constant 43 : i32
    %broadcast_in_dim3A_571 = vector.broadcast %jit3A_570 : i32 to vector<1024x128xi32>
    %select_n3A_572 = arith.select %lt3A_568, %broadcast_in_dim3A_571, %select_n3A_559 : vector<1024x128xi1>, vector<1024x128xi32>
    %slice3A_573 = vector.extract_strided_slice %dot_general3A_7 {offsets = [0, 5632], sizes = [1024, 128], strides = [1, 1]} : vector<1024x8192xf32> to vector<1024x128xf32>
    %sub3A_574 = vector.broadcast %get3A_10 : vector<1024x1xf32> to vector<1024x128xf32>
    %sub3A_575 = arith.subf %sub3A_574, %slice3A_573 : vector<1024x128xf32>
    %get3A_576 = arith.constant 0 : index
    %get3A_577 = arith.constant 5632 : index
    %get3A_578 = vector.load %arg4[%get3A_576, %get3A_577] : memref<1x8192xf32, #tpu.memory_space<vmem>>, vector<1x128xf32>
    %add3A_579 = vector.broadcast %get3A_578 : vector<1x128xf32> to vector<1024x128xf32>
    %add3A_580 = arith.addf %sub3A_575, %add3A_579 : vector<1024x128xf32>
    %lt3A_581 = arith.cmpf olt, %add3A_580, %select_n3A_569 : vector<1024x128xf32>
    %select_n3A_582 = arith.select %lt3A_581, %add3A_580, %select_n3A_569 : vector<1024x128xi1>, vector<1024x128xf32>
    %jit3A_583 = arith.constant 44 : i32
    %broadcast_in_dim3A_584 = vector.broadcast %jit3A_583 : i32 to vector<1024x128xi32>
    %select_n3A_585 = arith.select %lt3A_581, %broadcast_in_dim3A_584, %select_n3A_572 : vector<1024x128xi1>, vector<1024x128xi32>
    %slice3A_586 = vector.extract_strided_slice %dot_general3A_7 {offsets = [0, 5760], sizes = [1024, 128], strides = [1, 1]} : vector<1024x8192xf32> to vector<1024x128xf32>
    %sub3A_587 = vector.broadcast %get3A_10 : vector<1024x1xf32> to vector<1024x128xf32>
    %sub3A_588 = arith.subf %sub3A_587, %slice3A_586 : vector<1024x128xf32>
    %get3A_589 = arith.constant 0 : index
    %get3A_590 = arith.constant 5760 : index
    %get3A_591 = vector.load %arg4[%get3A_589, %get3A_590] : memref<1x8192xf32, #tpu.memory_space<vmem>>, vector<1x128xf32>
    %add3A_592 = vector.broadcast %get3A_591 : vector<1x128xf32> to vector<1024x128xf32>
    %add3A_593 = arith.addf %sub3A_588, %add3A_592 : vector<1024x128xf32>
    %lt3A_594 = arith.cmpf olt, %add3A_593, %select_n3A_582 : vector<1024x128xf32>
    %select_n3A_595 = arith.select %lt3A_594, %add3A_593, %select_n3A_582 : vector<1024x128xi1>, vector<1024x128xf32>
    %jit3A_596 = arith.constant 45 : i32
    %broadcast_in_dim3A_597 = vector.broadcast %jit3A_596 : i32 to vector<1024x128xi32>
    %select_n3A_598 = arith.select %lt3A_594, %broadcast_in_dim3A_597, %select_n3A_585 : vector<1024x128xi1>, vector<1024x128xi32>
    %slice3A_599 = vector.extract_strided_slice %dot_general3A_7 {offsets = [0, 5888], sizes = [1024, 128], strides = [1, 1]} : vector<1024x8192xf32> to vector<1024x128xf32>
    %sub3A_600 = vector.broadcast %get3A_10 : vector<1024x1xf32> to vector<1024x128xf32>
    %sub3A_601 = arith.subf %sub3A_600, %slice3A_599 : vector<1024x128xf32>
    %get3A_602 = arith.constant 0 : index
    %get3A_603 = arith.constant 5888 : index
    %get3A_604 = vector.load %arg4[%get3A_602, %get3A_603] : memref<1x8192xf32, #tpu.memory_space<vmem>>, vector<1x128xf32>
    %add3A_605 = vector.broadcast %get3A_604 : vector<1x128xf32> to vector<1024x128xf32>
    %add3A_606 = arith.addf %sub3A_601, %add3A_605 : vector<1024x128xf32>
    %lt3A_607 = arith.cmpf olt, %add3A_606, %select_n3A_595 : vector<1024x128xf32>
    %select_n3A_608 = arith.select %lt3A_607, %add3A_606, %select_n3A_595 : vector<1024x128xi1>, vector<1024x128xf32>
    %jit3A_609 = arith.constant 46 : i32
    %broadcast_in_dim3A_610 = vector.broadcast %jit3A_609 : i32 to vector<1024x128xi32>
    %select_n3A_611 = arith.select %lt3A_607, %broadcast_in_dim3A_610, %select_n3A_598 : vector<1024x128xi1>, vector<1024x128xi32>
    %slice3A_612 = vector.extract_strided_slice %dot_general3A_7 {offsets = [0, 6016], sizes = [1024, 128], strides = [1, 1]} : vector<1024x8192xf32> to vector<1024x128xf32>
    %sub3A_613 = vector.broadcast %get3A_10 : vector<1024x1xf32> to vector<1024x128xf32>
    %sub3A_614 = arith.subf %sub3A_613, %slice3A_612 : vector<1024x128xf32>
    %get3A_615 = arith.constant 0 : index
    %get3A_616 = arith.constant 6016 : index
    %get3A_617 = vector.load %arg4[%get3A_615, %get3A_616] : memref<1x8192xf32, #tpu.memory_space<vmem>>, vector<1x128xf32>
    %add3A_618 = vector.broadcast %get3A_617 : vector<1x128xf32> to vector<1024x128xf32>
    %add3A_619 = arith.addf %sub3A_614, %add3A_618 : vector<1024x128xf32>
    %lt3A_620 = arith.cmpf olt, %add3A_619, %select_n3A_608 : vector<1024x128xf32>
    %select_n3A_621 = arith.select %lt3A_620, %add3A_619, %select_n3A_608 : vector<1024x128xi1>, vector<1024x128xf32>
    %jit3A_622 = arith.constant 47 : i32
    %broadcast_in_dim3A_623 = vector.broadcast %jit3A_622 : i32 to vector<1024x128xi32>
    %select_n3A_624 = arith.select %lt3A_620, %broadcast_in_dim3A_623, %select_n3A_611 : vector<1024x128xi1>, vector<1024x128xi32>
    %slice3A_625 = vector.extract_strided_slice %dot_general3A_7 {offsets = [0, 6144], sizes = [1024, 128], strides = [1, 1]} : vector<1024x8192xf32> to vector<1024x128xf32>
    %sub3A_626 = vector.broadcast %get3A_10 : vector<1024x1xf32> to vector<1024x128xf32>
    %sub3A_627 = arith.subf %sub3A_626, %slice3A_625 : vector<1024x128xf32>
    %get3A_628 = arith.constant 0 : index
    %get3A_629 = arith.constant 6144 : index
    %get3A_630 = vector.load %arg4[%get3A_628, %get3A_629] : memref<1x8192xf32, #tpu.memory_space<vmem>>, vector<1x128xf32>
    %add3A_631 = vector.broadcast %get3A_630 : vector<1x128xf32> to vector<1024x128xf32>
    %add3A_632 = arith.addf %sub3A_627, %add3A_631 : vector<1024x128xf32>
    %lt3A_633 = arith.cmpf olt, %add3A_632, %select_n3A_621 : vector<1024x128xf32>
    %select_n3A_634 = arith.select %lt3A_633, %add3A_632, %select_n3A_621 : vector<1024x128xi1>, vector<1024x128xf32>
    %jit3A_635 = arith.constant 48 : i32
    %broadcast_in_dim3A_636 = vector.broadcast %jit3A_635 : i32 to vector<1024x128xi32>
    %select_n3A_637 = arith.select %lt3A_633, %broadcast_in_dim3A_636, %select_n3A_624 : vector<1024x128xi1>, vector<1024x128xi32>
    %slice3A_638 = vector.extract_strided_slice %dot_general3A_7 {offsets = [0, 6272], sizes = [1024, 128], strides = [1, 1]} : vector<1024x8192xf32> to vector<1024x128xf32>
    %sub3A_639 = vector.broadcast %get3A_10 : vector<1024x1xf32> to vector<1024x128xf32>
    %sub3A_640 = arith.subf %sub3A_639, %slice3A_638 : vector<1024x128xf32>
    %get3A_641 = arith.constant 0 : index
    %get3A_642 = arith.constant 6272 : index
    %get3A_643 = vector.load %arg4[%get3A_641, %get3A_642] : memref<1x8192xf32, #tpu.memory_space<vmem>>, vector<1x128xf32>
    %add3A_644 = vector.broadcast %get3A_643 : vector<1x128xf32> to vector<1024x128xf32>
    %add3A_645 = arith.addf %sub3A_640, %add3A_644 : vector<1024x128xf32>
    %lt3A_646 = arith.cmpf olt, %add3A_645, %select_n3A_634 : vector<1024x128xf32>
    %select_n3A_647 = arith.select %lt3A_646, %add3A_645, %select_n3A_634 : vector<1024x128xi1>, vector<1024x128xf32>
    %jit3A_648 = arith.constant 49 : i32
    %broadcast_in_dim3A_649 = vector.broadcast %jit3A_648 : i32 to vector<1024x128xi32>
    %select_n3A_650 = arith.select %lt3A_646, %broadcast_in_dim3A_649, %select_n3A_637 : vector<1024x128xi1>, vector<1024x128xi32>
    %slice3A_651 = vector.extract_strided_slice %dot_general3A_7 {offsets = [0, 6400], sizes = [1024, 128], strides = [1, 1]} : vector<1024x8192xf32> to vector<1024x128xf32>
    %sub3A_652 = vector.broadcast %get3A_10 : vector<1024x1xf32> to vector<1024x128xf32>
    %sub3A_653 = arith.subf %sub3A_652, %slice3A_651 : vector<1024x128xf32>
    %get3A_654 = arith.constant 0 : index
    %get3A_655 = arith.constant 6400 : index
    %get3A_656 = vector.load %arg4[%get3A_654, %get3A_655] : memref<1x8192xf32, #tpu.memory_space<vmem>>, vector<1x128xf32>
    %add3A_657 = vector.broadcast %get3A_656 : vector<1x128xf32> to vector<1024x128xf32>
    %add3A_658 = arith.addf %sub3A_653, %add3A_657 : vector<1024x128xf32>
    %lt3A_659 = arith.cmpf olt, %add3A_658, %select_n3A_647 : vector<1024x128xf32>
    %select_n3A_660 = arith.select %lt3A_659, %add3A_658, %select_n3A_647 : vector<1024x128xi1>, vector<1024x128xf32>
    %jit3A_661 = arith.constant 50 : i32
    %broadcast_in_dim3A_662 = vector.broadcast %jit3A_661 : i32 to vector<1024x128xi32>
    %select_n3A_663 = arith.select %lt3A_659, %broadcast_in_dim3A_662, %select_n3A_650 : vector<1024x128xi1>, vector<1024x128xi32>
    %slice3A_664 = vector.extract_strided_slice %dot_general3A_7 {offsets = [0, 6528], sizes = [1024, 128], strides = [1, 1]} : vector<1024x8192xf32> to vector<1024x128xf32>
    %sub3A_665 = vector.broadcast %get3A_10 : vector<1024x1xf32> to vector<1024x128xf32>
    %sub3A_666 = arith.subf %sub3A_665, %slice3A_664 : vector<1024x128xf32>
    %get3A_667 = arith.constant 0 : index
    %get3A_668 = arith.constant 6528 : index
    %get3A_669 = vector.load %arg4[%get3A_667, %get3A_668] : memref<1x8192xf32, #tpu.memory_space<vmem>>, vector<1x128xf32>
    %add3A_670 = vector.broadcast %get3A_669 : vector<1x128xf32> to vector<1024x128xf32>
    %add3A_671 = arith.addf %sub3A_666, %add3A_670 : vector<1024x128xf32>
    %lt3A_672 = arith.cmpf olt, %add3A_671, %select_n3A_660 : vector<1024x128xf32>
    %select_n3A_673 = arith.select %lt3A_672, %add3A_671, %select_n3A_660 : vector<1024x128xi1>, vector<1024x128xf32>
    %jit3A_674 = arith.constant 51 : i32
    %broadcast_in_dim3A_675 = vector.broadcast %jit3A_674 : i32 to vector<1024x128xi32>
    %select_n3A_676 = arith.select %lt3A_672, %broadcast_in_dim3A_675, %select_n3A_663 : vector<1024x128xi1>, vector<1024x128xi32>
    %slice3A_677 = vector.extract_strided_slice %dot_general3A_7 {offsets = [0, 6656], sizes = [1024, 128], strides = [1, 1]} : vector<1024x8192xf32> to vector<1024x128xf32>
    %sub3A_678 = vector.broadcast %get3A_10 : vector<1024x1xf32> to vector<1024x128xf32>
    %sub3A_679 = arith.subf %sub3A_678, %slice3A_677 : vector<1024x128xf32>
    %get3A_680 = arith.constant 0 : index
    %get3A_681 = arith.constant 6656 : index
    %get3A_682 = vector.load %arg4[%get3A_680, %get3A_681] : memref<1x8192xf32, #tpu.memory_space<vmem>>, vector<1x128xf32>
    %add3A_683 = vector.broadcast %get3A_682 : vector<1x128xf32> to vector<1024x128xf32>
    %add3A_684 = arith.addf %sub3A_679, %add3A_683 : vector<1024x128xf32>
    %lt3A_685 = arith.cmpf olt, %add3A_684, %select_n3A_673 : vector<1024x128xf32>
    %select_n3A_686 = arith.select %lt3A_685, %add3A_684, %select_n3A_673 : vector<1024x128xi1>, vector<1024x128xf32>
    %jit3A_687 = arith.constant 52 : i32
    %broadcast_in_dim3A_688 = vector.broadcast %jit3A_687 : i32 to vector<1024x128xi32>
    %select_n3A_689 = arith.select %lt3A_685, %broadcast_in_dim3A_688, %select_n3A_676 : vector<1024x128xi1>, vector<1024x128xi32>
    %slice3A_690 = vector.extract_strided_slice %dot_general3A_7 {offsets = [0, 6784], sizes = [1024, 128], strides = [1, 1]} : vector<1024x8192xf32> to vector<1024x128xf32>
    %sub3A_691 = vector.broadcast %get3A_10 : vector<1024x1xf32> to vector<1024x128xf32>
    %sub3A_692 = arith.subf %sub3A_691, %slice3A_690 : vector<1024x128xf32>
    %get3A_693 = arith.constant 0 : index
    %get3A_694 = arith.constant 6784 : index
    %get3A_695 = vector.load %arg4[%get3A_693, %get3A_694] : memref<1x8192xf32, #tpu.memory_space<vmem>>, vector<1x128xf32>
    %add3A_696 = vector.broadcast %get3A_695 : vector<1x128xf32> to vector<1024x128xf32>
    %add3A_697 = arith.addf %sub3A_692, %add3A_696 : vector<1024x128xf32>
    %lt3A_698 = arith.cmpf olt, %add3A_697, %select_n3A_686 : vector<1024x128xf32>
    %select_n3A_699 = arith.select %lt3A_698, %add3A_697, %select_n3A_686 : vector<1024x128xi1>, vector<1024x128xf32>
    %jit3A_700 = arith.constant 53 : i32
    %broadcast_in_dim3A_701 = vector.broadcast %jit3A_700 : i32 to vector<1024x128xi32>
    %select_n3A_702 = arith.select %lt3A_698, %broadcast_in_dim3A_701, %select_n3A_689 : vector<1024x128xi1>, vector<1024x128xi32>
    %slice3A_703 = vector.extract_strided_slice %dot_general3A_7 {offsets = [0, 6912], sizes = [1024, 128], strides = [1, 1]} : vector<1024x8192xf32> to vector<1024x128xf32>
    %sub3A_704 = vector.broadcast %get3A_10 : vector<1024x1xf32> to vector<1024x128xf32>
    %sub3A_705 = arith.subf %sub3A_704, %slice3A_703 : vector<1024x128xf32>
    %get3A_706 = arith.constant 0 : index
    %get3A_707 = arith.constant 6912 : index
    %get3A_708 = vector.load %arg4[%get3A_706, %get3A_707] : memref<1x8192xf32, #tpu.memory_space<vmem>>, vector<1x128xf32>
    %add3A_709 = vector.broadcast %get3A_708 : vector<1x128xf32> to vector<1024x128xf32>
    %add3A_710 = arith.addf %sub3A_705, %add3A_709 : vector<1024x128xf32>
    %lt3A_711 = arith.cmpf olt, %add3A_710, %select_n3A_699 : vector<1024x128xf32>
    %select_n3A_712 = arith.select %lt3A_711, %add3A_710, %select_n3A_699 : vector<1024x128xi1>, vector<1024x128xf32>
    %jit3A_713 = arith.constant 54 : i32
    %broadcast_in_dim3A_714 = vector.broadcast %jit3A_713 : i32 to vector<1024x128xi32>
    %select_n3A_715 = arith.select %lt3A_711, %broadcast_in_dim3A_714, %select_n3A_702 : vector<1024x128xi1>, vector<1024x128xi32>
    %slice3A_716 = vector.extract_strided_slice %dot_general3A_7 {offsets = [0, 7040], sizes = [1024, 128], strides = [1, 1]} : vector<1024x8192xf32> to vector<1024x128xf32>
    %sub3A_717 = vector.broadcast %get3A_10 : vector<1024x1xf32> to vector<1024x128xf32>
    %sub3A_718 = arith.subf %sub3A_717, %slice3A_716 : vector<1024x128xf32>
    %get3A_719 = arith.constant 0 : index
    %get3A_720 = arith.constant 7040 : index
    %get3A_721 = vector.load %arg4[%get3A_719, %get3A_720] : memref<1x8192xf32, #tpu.memory_space<vmem>>, vector<1x128xf32>
    %add3A_722 = vector.broadcast %get3A_721 : vector<1x128xf32> to vector<1024x128xf32>
    %add3A_723 = arith.addf %sub3A_718, %add3A_722 : vector<1024x128xf32>
    %lt3A_724 = arith.cmpf olt, %add3A_723, %select_n3A_712 : vector<1024x128xf32>
    %select_n3A_725 = arith.select %lt3A_724, %add3A_723, %select_n3A_712 : vector<1024x128xi1>, vector<1024x128xf32>
    %jit3A_726 = arith.constant 55 : i32
    %broadcast_in_dim3A_727 = vector.broadcast %jit3A_726 : i32 to vector<1024x128xi32>
    %select_n3A_728 = arith.select %lt3A_724, %broadcast_in_dim3A_727, %select_n3A_715 : vector<1024x128xi1>, vector<1024x128xi32>
    %slice3A_729 = vector.extract_strided_slice %dot_general3A_7 {offsets = [0, 7168], sizes = [1024, 128], strides = [1, 1]} : vector<1024x8192xf32> to vector<1024x128xf32>
    %sub3A_730 = vector.broadcast %get3A_10 : vector<1024x1xf32> to vector<1024x128xf32>
    %sub3A_731 = arith.subf %sub3A_730, %slice3A_729 : vector<1024x128xf32>
    %get3A_732 = arith.constant 0 : index
    %get3A_733 = arith.constant 7168 : index
    %get3A_734 = vector.load %arg4[%get3A_732, %get3A_733] : memref<1x8192xf32, #tpu.memory_space<vmem>>, vector<1x128xf32>
    %add3A_735 = vector.broadcast %get3A_734 : vector<1x128xf32> to vector<1024x128xf32>
    %add3A_736 = arith.addf %sub3A_731, %add3A_735 : vector<1024x128xf32>
    %lt3A_737 = arith.cmpf olt, %add3A_736, %select_n3A_725 : vector<1024x128xf32>
    %select_n3A_738 = arith.select %lt3A_737, %add3A_736, %select_n3A_725 : vector<1024x128xi1>, vector<1024x128xf32>
    %jit3A_739 = arith.constant 56 : i32
    %broadcast_in_dim3A_740 = vector.broadcast %jit3A_739 : i32 to vector<1024x128xi32>
    %select_n3A_741 = arith.select %lt3A_737, %broadcast_in_dim3A_740, %select_n3A_728 : vector<1024x128xi1>, vector<1024x128xi32>
    %slice3A_742 = vector.extract_strided_slice %dot_general3A_7 {offsets = [0, 7296], sizes = [1024, 128], strides = [1, 1]} : vector<1024x8192xf32> to vector<1024x128xf32>
    %sub3A_743 = vector.broadcast %get3A_10 : vector<1024x1xf32> to vector<1024x128xf32>
    %sub3A_744 = arith.subf %sub3A_743, %slice3A_742 : vector<1024x128xf32>
    %get3A_745 = arith.constant 0 : index
    %get3A_746 = arith.constant 7296 : index
    %get3A_747 = vector.load %arg4[%get3A_745, %get3A_746] : memref<1x8192xf32, #tpu.memory_space<vmem>>, vector<1x128xf32>
    %add3A_748 = vector.broadcast %get3A_747 : vector<1x128xf32> to vector<1024x128xf32>
    %add3A_749 = arith.addf %sub3A_744, %add3A_748 : vector<1024x128xf32>
    %lt3A_750 = arith.cmpf olt, %add3A_749, %select_n3A_738 : vector<1024x128xf32>
    %select_n3A_751 = arith.select %lt3A_750, %add3A_749, %select_n3A_738 : vector<1024x128xi1>, vector<1024x128xf32>
    %jit3A_752 = arith.constant 57 : i32
    %broadcast_in_dim3A_753 = vector.broadcast %jit3A_752 : i32 to vector<1024x128xi32>
    %select_n3A_754 = arith.select %lt3A_750, %broadcast_in_dim3A_753, %select_n3A_741 : vector<1024x128xi1>, vector<1024x128xi32>
    %slice3A_755 = vector.extract_strided_slice %dot_general3A_7 {offsets = [0, 7424], sizes = [1024, 128], strides = [1, 1]} : vector<1024x8192xf32> to vector<1024x128xf32>
    %sub3A_756 = vector.broadcast %get3A_10 : vector<1024x1xf32> to vector<1024x128xf32>
    %sub3A_757 = arith.subf %sub3A_756, %slice3A_755 : vector<1024x128xf32>
    %get3A_758 = arith.constant 0 : index
    %get3A_759 = arith.constant 7424 : index
    %get3A_760 = vector.load %arg4[%get3A_758, %get3A_759] : memref<1x8192xf32, #tpu.memory_space<vmem>>, vector<1x128xf32>
    %add3A_761 = vector.broadcast %get3A_760 : vector<1x128xf32> to vector<1024x128xf32>
    %add3A_762 = arith.addf %sub3A_757, %add3A_761 : vector<1024x128xf32>
    %lt3A_763 = arith.cmpf olt, %add3A_762, %select_n3A_751 : vector<1024x128xf32>
    %select_n3A_764 = arith.select %lt3A_763, %add3A_762, %select_n3A_751 : vector<1024x128xi1>, vector<1024x128xf32>
    %jit3A_765 = arith.constant 58 : i32
    %broadcast_in_dim3A_766 = vector.broadcast %jit3A_765 : i32 to vector<1024x128xi32>
    %select_n3A_767 = arith.select %lt3A_763, %broadcast_in_dim3A_766, %select_n3A_754 : vector<1024x128xi1>, vector<1024x128xi32>
    %slice3A_768 = vector.extract_strided_slice %dot_general3A_7 {offsets = [0, 7552], sizes = [1024, 128], strides = [1, 1]} : vector<1024x8192xf32> to vector<1024x128xf32>
    %sub3A_769 = vector.broadcast %get3A_10 : vector<1024x1xf32> to vector<1024x128xf32>
    %sub3A_770 = arith.subf %sub3A_769, %slice3A_768 : vector<1024x128xf32>
    %get3A_771 = arith.constant 0 : index
    %get3A_772 = arith.constant 7552 : index
    %get3A_773 = vector.load %arg4[%get3A_771, %get3A_772] : memref<1x8192xf32, #tpu.memory_space<vmem>>, vector<1x128xf32>
    %add3A_774 = vector.broadcast %get3A_773 : vector<1x128xf32> to vector<1024x128xf32>
    %add3A_775 = arith.addf %sub3A_770, %add3A_774 : vector<1024x128xf32>
    %lt3A_776 = arith.cmpf olt, %add3A_775, %select_n3A_764 : vector<1024x128xf32>
    %select_n3A_777 = arith.select %lt3A_776, %add3A_775, %select_n3A_764 : vector<1024x128xi1>, vector<1024x128xf32>
    %jit3A_778 = arith.constant 59 : i32
    %broadcast_in_dim3A_779 = vector.broadcast %jit3A_778 : i32 to vector<1024x128xi32>
    %select_n3A_780 = arith.select %lt3A_776, %broadcast_in_dim3A_779, %select_n3A_767 : vector<1024x128xi1>, vector<1024x128xi32>
    %slice3A_781 = vector.extract_strided_slice %dot_general3A_7 {offsets = [0, 7680], sizes = [1024, 128], strides = [1, 1]} : vector<1024x8192xf32> to vector<1024x128xf32>
    %sub3A_782 = vector.broadcast %get3A_10 : vector<1024x1xf32> to vector<1024x128xf32>
    %sub3A_783 = arith.subf %sub3A_782, %slice3A_781 : vector<1024x128xf32>
    %get3A_784 = arith.constant 0 : index
    %get3A_785 = arith.constant 7680 : index
    %get3A_786 = vector.load %arg4[%get3A_784, %get3A_785] : memref<1x8192xf32, #tpu.memory_space<vmem>>, vector<1x128xf32>
    %add3A_787 = vector.broadcast %get3A_786 : vector<1x128xf32> to vector<1024x128xf32>
    %add3A_788 = arith.addf %sub3A_783, %add3A_787 : vector<1024x128xf32>
    %lt3A_789 = arith.cmpf olt, %add3A_788, %select_n3A_777 : vector<1024x128xf32>
    %select_n3A_790 = arith.select %lt3A_789, %add3A_788, %select_n3A_777 : vector<1024x128xi1>, vector<1024x128xf32>
    %jit3A_791 = arith.constant 60 : i32
    %broadcast_in_dim3A_792 = vector.broadcast %jit3A_791 : i32 to vector<1024x128xi32>
    %select_n3A_793 = arith.select %lt3A_789, %broadcast_in_dim3A_792, %select_n3A_780 : vector<1024x128xi1>, vector<1024x128xi32>
    %slice3A_794 = vector.extract_strided_slice %dot_general3A_7 {offsets = [0, 7808], sizes = [1024, 128], strides = [1, 1]} : vector<1024x8192xf32> to vector<1024x128xf32>
    %sub3A_795 = vector.broadcast %get3A_10 : vector<1024x1xf32> to vector<1024x128xf32>
    %sub3A_796 = arith.subf %sub3A_795, %slice3A_794 : vector<1024x128xf32>
    %get3A_797 = arith.constant 0 : index
    %get3A_798 = arith.constant 7808 : index
    %get3A_799 = vector.load %arg4[%get3A_797, %get3A_798] : memref<1x8192xf32, #tpu.memory_space<vmem>>, vector<1x128xf32>
    %add3A_800 = vector.broadcast %get3A_799 : vector<1x128xf32> to vector<1024x128xf32>
    %add3A_801 = arith.addf %sub3A_796, %add3A_800 : vector<1024x128xf32>
    %lt3A_802 = arith.cmpf olt, %add3A_801, %select_n3A_790 : vector<1024x128xf32>
    %select_n3A_803 = arith.select %lt3A_802, %add3A_801, %select_n3A_790 : vector<1024x128xi1>, vector<1024x128xf32>
    %jit3A_804 = arith.constant 61 : i32
    %broadcast_in_dim3A_805 = vector.broadcast %jit3A_804 : i32 to vector<1024x128xi32>
    %select_n3A_806 = arith.select %lt3A_802, %broadcast_in_dim3A_805, %select_n3A_793 : vector<1024x128xi1>, vector<1024x128xi32>
    %slice3A_807 = vector.extract_strided_slice %dot_general3A_7 {offsets = [0, 7936], sizes = [1024, 128], strides = [1, 1]} : vector<1024x8192xf32> to vector<1024x128xf32>
    %sub3A_808 = vector.broadcast %get3A_10 : vector<1024x1xf32> to vector<1024x128xf32>
    %sub3A_809 = arith.subf %sub3A_808, %slice3A_807 : vector<1024x128xf32>
    %get3A_810 = arith.constant 0 : index
    %get3A_811 = arith.constant 7936 : index
    %get3A_812 = vector.load %arg4[%get3A_810, %get3A_811] : memref<1x8192xf32, #tpu.memory_space<vmem>>, vector<1x128xf32>
    %add3A_813 = vector.broadcast %get3A_812 : vector<1x128xf32> to vector<1024x128xf32>
    %add3A_814 = arith.addf %sub3A_809, %add3A_813 : vector<1024x128xf32>
    %lt3A_815 = arith.cmpf olt, %add3A_814, %select_n3A_803 : vector<1024x128xf32>
    %select_n3A_816 = arith.select %lt3A_815, %add3A_814, %select_n3A_803 : vector<1024x128xi1>, vector<1024x128xf32>
    %jit3A_817 = arith.constant 62 : i32
    %broadcast_in_dim3A_818 = vector.broadcast %jit3A_817 : i32 to vector<1024x128xi32>
    %select_n3A_819 = arith.select %lt3A_815, %broadcast_in_dim3A_818, %select_n3A_806 : vector<1024x128xi1>, vector<1024x128xi32>
    %slice3A_820 = vector.extract_strided_slice %dot_general3A_7 {offsets = [0, 8064], sizes = [1024, 128], strides = [1, 1]} : vector<1024x8192xf32> to vector<1024x128xf32>
    %sub3A_821 = vector.broadcast %get3A_10 : vector<1024x1xf32> to vector<1024x128xf32>
    %sub3A_822 = arith.subf %sub3A_821, %slice3A_820 : vector<1024x128xf32>
    %get3A_823 = arith.constant 0 : index
    %get3A_824 = arith.constant 8064 : index
    %get3A_825 = vector.load %arg4[%get3A_823, %get3A_824] : memref<1x8192xf32, #tpu.memory_space<vmem>>, vector<1x128xf32>
    %add3A_826 = vector.broadcast %get3A_825 : vector<1x128xf32> to vector<1024x128xf32>
    %add3A_827 = arith.addf %sub3A_822, %add3A_826 : vector<1024x128xf32>
    %lt3A_828 = arith.cmpf olt, %add3A_827, %select_n3A_816 : vector<1024x128xf32>
    %select_n3A_829 = arith.select %lt3A_828, %add3A_827, %select_n3A_816 : vector<1024x128xi1>, vector<1024x128xf32>
    %jit3A_830 = arith.constant 63 : i32
    %broadcast_in_dim3A_831 = vector.broadcast %jit3A_830 : i32 to vector<1024x128xi32>
    %select_n3A_832 = arith.select %lt3A_828, %broadcast_in_dim3A_831, %select_n3A_819 : vector<1024x128xi1>, vector<1024x128xi32>
    %iota3A = tpu.iota {dimensions = array<i32: 1>} : vector<1024x128xi32>
    %mul3A_833 = arith.constant 128 : i32
    %mul3A_834 = vector.broadcast %mul3A_833 : i32 to vector<1024x128xi32>
    %mul3A_835 = arith.muli %select_n3A_832, %mul3A_834 : vector<1024x128xi32>
    %add3A_836 = arith.addi %mul3A_835, %iota3A : vector<1024x128xi32>
    %reduce_min3A = arith.constant dense<0x7F800000> : vector<1024xf32>
    %reduce_min3A_837 = vector.multi_reduction <minimumf>, %select_n3A_829, %reduce_min3A [1] : vector<1024x128xf32> to vector<1024xf32>
    %broadcast_in_dim3A_838 = vector.shape_cast %reduce_min3A_837 : vector<1024xf32> to vector<1024x1xf32>
    %eq3A = vector.broadcast %broadcast_in_dim3A_838 : vector<1024x1xf32> to vector<1024x128xf32>
    %eq3A_839 = arith.cmpf oeq, %select_n3A_829, %eq3A : vector<1024x128xf32>
    %jit3A_840 = arith.constant 8192 : i32
    %broadcast_in_dim3A_841 = vector.broadcast %jit3A_840 : i32 to vector<1024x128xi32>
    %select_n3A_842 = arith.select %eq3A_839, %add3A_836, %broadcast_in_dim3A_841 : vector<1024x128xi1>, vector<1024x128xi32>
    %reduce_min3A_843 = arith.constant dense<2147483647> : vector<1024xi32>
    %reduce_min3A_844 = vector.multi_reduction <minsi>, %select_n3A_842, %reduce_min3A_843 [1] : vector<1024x128xi32> to vector<1024xi32>
    %broadcast_in_dim3A_845 = vector.shape_cast %reduce_min3A_844 : vector<1024xi32> to vector<1024x1xi32>
    %swap3A = arith.constant 0 : index
    %swap3A_846 = arith.constant 0 : index
    %swap3A_847 = vector.load %arg5[%swap3A, %swap3A_846] : memref<1024x1xi32, #tpu.memory_space<vmem>>, vector<1024x1xi32>
    tpu.vector_store %arg5[%swap3A, %swap3A_846], %broadcast_in_dim3A_845 {strides = array<i32>} : memref<1024x1xi32, #tpu.memory_space<vmem>>, vector<1024x1xi32>,
    %reduce_sum3A = vector.shape_cast %broadcast_in_dim3A_838 : vector<1024x1xf32> to vector<1x1024x1xf32>
    %reduce_sum3A_848 = arith.constant dense<0.000000e+00> : vector<1xf32>
    %reduce_sum3A_849 = vector.multi_reduction <add>, %reduce_sum3A, %reduce_sum3A_848 [1, 2] : vector<1x1024x1xf32> to vector<1xf32>
    %reduce_sum3A_850 = vector.shape_cast %reduce_sum3A_849 : vector<1xf32> to vector<1x1x1xf32>
    %reduce_sum3A_851 = vector.extract %reduce_sum3A_850[0, 0, 0] : f32 from vector<1x1x1xf32>
    %reshape3A = vector.broadcast %reduce_sum3A_851 : f32 to vector<1x1xf32>
    %eq3A_852 = arith.constant 0 : i32
    %eq3A_853 = arith.cmpi eq, %arg0, %eq3A_852 : i32
    %broadcast_in_dim3A_854 = arith.constant 0.000000e+00 : f32
    %broadcast_in_dim3A_855 = vector.broadcast %broadcast_in_dim3A_854 : f32 to vector<1x1xf32>
    %get3A_856 = arith.constant 0 : index
    %get3A_857 = arith.constant 0 : index
    %get3A_858 = vector.load %arg7[%get3A_856, %get3A_857] : memref<1x1xf32, #tpu.memory_space<vmem>>, vector<1x1xf32>
    %select_n3A_859 = arith.select %eq3A_853, %broadcast_in_dim3A_855, %get3A_858 : vector<1x1xf32>
    %add3A_860 = arith.addf %select_n3A_859, %reshape3A : vector<1x1xf32>
    %swap3A_861 = arith.constant 0 : index
    %swap3A_862 = arith.constant 0 : index
    %swap3A_863 = vector.load %arg7[%swap3A_861, %swap3A_862] : memref<1x1xf32, #tpu.memory_space<vmem>>, vector<1x1xf32>
    tpu.vector_store %arg7[%swap3A_861, %swap3A_862], %add3A_860 {strides = array<i32>} : memref<1x1xf32, #tpu.memory_space<vmem>>, vector<1x1xf32>,
    %eq3A_864 = arith.constant 7 : i32
    %eq3A_865 = arith.cmpi eq, %arg0, %eq3A_864 : i32
    %convert_element_type3A = arith.extui %eq3A_865 : i1 to i32
    %cond3A = arith.constant 0 : i32
    %cond3A_866 = arith.cmpi ne, %convert_element_type3A, %cond3A : i32
    scf.if %cond3A_866 {
      %mul3A_867 = arith.constant 4.76837158E-6 : f32
      %mul3A_868 = vector.broadcast %mul3A_867 : f32 to vector<1x1xf32>
      %mul3A_869 = arith.mulf %add3A_860, %mul3A_868 : vector<1x1xf32>
      %swap3A_870 = arith.constant 0 : index
      %swap3A_871 = arith.constant 0 : index
      %swap3A_872 = vector.load %arg6[%swap3A_870, %swap3A_871] : memref<1x1xf32, #tpu.memory_space<vmem>>, vector<1x1xf32>
      tpu.vector_store %arg6[%swap3A_870, %swap3A_871], %mul3A_869 {strides = array<i32>} : memref<1x1xf32, #tpu.memory_space<vmem>>, vector<1x1xf32>,
    } else {
    }
    return
  }
  func.func @transform_0(%arg0: i32) -> (i32, i32) {
    %c0_i32 = arith.constant 0 : i32
    %c0_i32_0 = arith.constant 0 : i32
    return %arg0, %c0_i32 : i32, i32
  }
  func.func @transform_1(%arg0: i32) -> (i32, i32) {
    %c0_i32 = arith.constant 0 : i32
    %c0_i32_0 = arith.constant 0 : i32
    %c0_i32_1 = arith.constant 0 : i32
    return %c0_i32, %c0_i32_0 : i32, i32
  }
  func.func @transform_2(%arg0: i32) -> (i32, i32) {
    %c0_i32 = arith.constant 0 : i32
    %c0_i32_0 = arith.constant 0 : i32
    return %arg0, %c0_i32 : i32, i32
  }
  func.func @transform_3(%arg0: i32) -> (i32, i32) {
    %c0_i32 = arith.constant 0 : i32
    %c0_i32_0 = arith.constant 0 : i32
    %c0_i32_1 = arith.constant 0 : i32
    return %c0_i32, %c0_i32_0 : i32, i32
  }
  func.func @transform_4(%arg0: i32) -> (i32, i32) {
    %c0_i32 = arith.constant 0 : i32
    %c0_i32_0 = arith.constant 0 : i32
    return %arg0, %c0_i32 : i32, i32
  }
  func.func @transform_5(%arg0: i32) -> (i32, i32) {
    %c0_i32 = arith.constant 0 : i32
    %c0_i32_0 = arith.constant 0 : i32
    %c0_i32_1 = arith.constant 0 : i32
    return %c0_i32, %c0_i32_0 : i32, i32
  }
}

</mosaic_0001>

<sc_bundles>
// kernel: kernel.4.cloned.1.call-start
scs
__scs_entry_jumppad:
0x0: {  	(pc) =	sbr.rel $0x88, $3  }
0x1: {  	(tag) =	ssettag $0x0;
	lr =	simm.s32 $0x1  }
0x2: {  	[smem:$0x3F9F] =	sst lr;
	_ =	strace $0xD0000000  }
0x3: {  	_ = 	snop  }
0x4: {  	_ = 	snop  }
0x5: {  	_ = 	snop  }
0x6: {  	_ = 	snop  }
0x7: {  	_ = 	snop  }
__scs_overlays_trampoline_lowered:
0x8: {  	[smem:$0x3FAE] =	sst s0  }
0x9: {  	[smem:$0x3FAF] =	sst s1  }
0xa: {  	[smem:$0x3FB0] =	sst s2  }
0xb: {  	[smem:$0x3FB1] =	sst s3  }
0xc: {  	[smem:$0x3FB2] =	sst s4  }
0xd: {  	[smem:$0x3FB3] =	sst s5  }
0xe: {  	[smem:$0x3FB4] =	sst s6  }
0xf: {  	[smem:$0x3FB5] =	sst s7  }
0x10: {  	[smem:$0x3FB6] =	sst s8  }
0x11: {  	[smem:$0x3FB7] =	sst s9;
	s0 =	simm.s32 @!p0 $0x0  }
0x12: {  	s1 =	sld [smem:$0x3F9D];
	s0 =	simm.s32 @p0 $0x1  }
0x13: {  	[smem:$0x3FB8] =	sst s0;
	s0 =	simm.s32 @!p1 $0x0  }
0x14: {  	s2 =	sld [smem:$0x3F9C];
	s0 =	simm.s32 @p1 $0x1  }
0x15: {  	[smem:$0x3FB9] =	sst s0;
	s0 =	simm.s32 @!p2 $0x0  }
0x16: {  	s3 =	sld [smem:$0x3FDB];
	s0 =	simm.s32 @p2 $0x1  }
0x17: {  	s4 =	simm.s32 $0x1BF5;
	[smem:$0x3FBB] =	sst s0  }
0x18: {  	s0 =	sld [smem:$0x3F9E];
	_ =	swait.ge [sflag:s4], $0x0  }
0x19: {  	s7 =	sld [smem:$0x3F9F]  }
0x1a: {  	s8 =	sadd.s32 $0xFFFFE003, lr  }
0x1b: {  	s9 =	sadd.s32 $0xFFFFFEF7, lr;
	s5 =	simm.s32 $0xFFFFFFFF;
	p2 =	slt.u32 s8, $0xFFFFF086  }
0x1c: {  	p1 =	slt.u32 s9, $0xF7A;
	s5 =	simm.s32 @!p2 $0x0  }
0x1d: {  	s5 =	simm.s32 @p1 $0x1;
	p0 =	seq.s32 s7, s2  }
0x1e: {  	s7 =	smul.u32 @!p0 $0xF7A, s2;
	p2 =	seq.s32 @!p0 s5, $0x0  }
0x1f: {  	s9 =	smul.u32 $0xF7A, s1;
	s8 =	simm.s32 @!p0 $0x1BF5;
	p2 =	por !p2, p0  }
0x20: {  	[sflag:s8] =	ssyncset.s32 @!p0 $0xFFFFF086;
	s6 =	sadd.s32 @!p0 s3, s7;
	s7 =	simm.s32 @!p0 $0x108  }
0x21: {  	s3 =	sadd.s32 s3, s9;
	s6 =	sadd.s32 @!p0 $0x88, s6;
	s7 =	simm.s32 @p2 $0x1082  }
0x22: {  	[simem:s7], [sflag:s8] =	dma.local @!p0 [hbm:s6], $0xF7A  }
0x23: {  	s9 =	sor.u32 $0xD0000000, s2;
	s6 =	simm.s32 $0x108;
	_ =	swait.ge @!p0 [sflag:s8], $0x0  }
0x24: {  	s3 =	sadd.s32 $0x88, s3;
	s6 =	simm.s32 @!p1 $0x1082;
	[sflag:s4] =	ssyncset.s32 $0xFFFFF086  }
0x25: {  	[simem:s6], [sflag:s4] =	dma.local [hbm:s3], $0xF7A  }
0x26: {  	[smem:$0x3F9F] =	sst s1;
	(tag) =	ssettag s2;
	_ =	strace s9  }
0x27: {  	s1 =	sld [smem:$0x3FAF]  }
0x28: {  	s2 =	sld [smem:$0x3FB0]  }
0x29: {  	s4 =	sld [smem:$0x3FB2]  }
0x2a: {  	p0 =	seq.s32 s5, $0x0;
	s5 =	sld [smem:$0x3FB3]  }
0x2b: {  	s6 =	sld [smem:$0x3FB4]  }
0x2c: {  	s7 =	sld [smem:$0x3FB5]  }
0x2d: {  	s3 =	simm.s32 $0x108;
	s8 =	sld [smem:$0x3FB6]  }
0x2e: {  	s3 =	simm.s32 @!p0 $0x1082;
	s9 =	sld [smem:$0x3FB7]  }
0x2f: {  	lr =	sadd.s32 s0, s3;
	s0 =	sld [smem:$0x3FAE]  }
0x30: {  	s3 =	sld [smem:$0x3FB1]  }
0x31: {  	[smem:$0x3FBA] =	sst s10  }
0x32: {  	s10 =	sld [smem:$0x3FB8];
	_ =	sdelay $0x3  }
0x33: {  	p0 =	seq.s32 s10, $0x1;
	s10 =	sld [smem:$0x3FBA];
	_ =	sdelay $0x3  }
0x34: {  	[smem:$0x3FBA] =	sst s10  }
0x35: {  	s10 =	sld [smem:$0x3FB9];
	_ =	sdelay $0x3  }
0x36: {  	p1 =	seq.s32 s10, $0x1;
	s10 =	sld [smem:$0x3FBA];
	_ =	sdelay $0x3  }
0x37: {  	[smem:$0x3FBA] =	sst s10  }
0x38: {  	s10 =	sld [smem:$0x3FBB]  }
0x39: {  	_ = 	snop;
	(pc) =	sbr.ind lr, $3  }
0x3a: {  	_ = 	snop  }
0x3b: {  	_ = 	snop  }
0x3c: {  	p2 =	seq.s32 s10, $0x1;
	s10 =	sld [smem:$0x3FBA]  }
0x3d: {  	_ =	shalt  }
0x3e: {  	_ =	shalt  }
0x3f: {  	_ =	shalt  }
0x40: {  	_ =	shalt  }
0x41: {  	_ =	shalt  }
0x42: {  	_ =	shalt  }
0x43: {  	_ =	shalt  }
0x44: {  	_ =	shalt  }
0x45: {  	_ =	shalt  }
0x46: {  	_ =	shalt  }
0x47: {  	_ =	shalt  }
0x48: {  	_ =	shalt  }
0x49: {  	_ =	shalt  }
0x4a: {  	_ =	shalt  }
0x4b: {  	_ =	shalt  }
0x4c: {  	_ =	shalt  }
0x4d: {  	_ =	shalt  }
0x4e: {  	_ =	shalt  }
0x4f: {  	_ =	shalt  }
0x50: {  	_ =	shalt  }
0x51: {  	_ =	shalt  }
0x52: {  	_ =	shalt  }
0x53: {  	_ =	shalt  }
0x54: {  	_ =	shalt  }
0x55: {  	_ =	shalt  }
0x56: {  	_ =	shalt  }
0x57: {  	_ =	shalt  }
0x58: {  	_ =	shalt  }
0x59: {  	_ =	shalt  }
0x5a: {  	_ =	shalt  }
0x5b: {  	_ =	shalt  }
0x5c: {  	_ =	shalt  }
0x5d: {  	_ =	shalt  }
0x5e: {  	_ =	shalt  }
0x5f: {  	_ =	shalt  }
0x60: {  	_ =	shalt  }
0x61: {  	_ =	shalt  }
0x62: {  	_ =	shalt  }
0x63: {  	_ =	shalt  }
0x64: {  	_ =	shalt  }
0x65: {  	_ =	shalt  }
0x66: {  	_ =	shalt  }
0x67: {  	_ =	shalt  }
0x68: {  	_ =	shalt  }
0x69: {  	_ =	shalt  }
0x6a: {  	_ =	shalt  }
0x6b: {  	_ =	shalt  }
0x6c: {  	_ =	shalt  }
0x6d: {  	_ =	shalt  }
0x6e: {  	_ =	shalt  }
0x6f: {  	_ =	shalt  }
0x70: {  	_ =	shalt  }
0x71: {  	_ =	shalt  }
0x72: {  	_ =	shalt  }
0x73: {  	_ =	shalt  }
0x74: {  	_ =	shalt  }
0x75: {  	_ =	shalt  }
0x76: {  	_ =	shalt  }
0x77: {  	_ =	shalt  }
0x78: {  	_ =	shalt  }
0x79: {  	_ =	shalt  }
0x7a: {  	_ =	shalt  }
0x7b: {  	_ =	shalt  }
0x7c: {  	_ =	shalt  }
0x7d: {  	_ =	shalt  }
0x7e: {  	_ =	shalt  }
0x7f: {  	_ =	shalt  }
0x80: {  	_ =	shalt  }
0x81: {  	_ =	shalt  }
0x82: {  	_ =	shalt  }
0x83: {  	_ =	shalt  }
0x84: {  	_ =	shalt  }
0x85: {  	_ =	shalt  }
0x86: {  	_ =	shalt  }
0x87: {  	_ =	shalt  }
.Lfunc_end0:
.L_simem_size_0:
called_computation_lowered:
.L_overlay_start_0:
0x88: {  	s2 =	sld [smem:$0x3FD9]  }
0x89: {  	s3 =	sld [smem:$0x3FFE];
	_ =	sdelay $0x1  }
0x8a: {  	s1 =	srdreg.scid  }
0x8b: {  	s0 =	sand.u32 $0x1, s1  }
0x8c: {  	s14 =	sshll.u32 s0, $0xA;
	s2 =	sadd.s32 s3, s2  }
0x8d: {  	s2 =	sadd.s32 s2, s14  }
0x8e: {  	[smem:$0x3FC6] =	sst s2  }
0x8f: {  	_ = 	snop  }
0x90: {  	s2 =	sld [smem:$0x3FD0];
	_ =	sdelay $0x2  }
0x91: {  	s15 =	simm.s32 $0xA;
	s4 =	simm.s32 $0x10  }
0x92: {  	[smem:s4], [sflag:s15] =	dma.local [hbm:s2], $0x1  }
0x93: {  	_ =	swait.eq [sflag:s15], $0x1  }
0x94: {  	[sflag:s15] =	ssyncset.done $0x0  }
0x95: {  	[sflag:s15] =	ssyncadd.s32 $0xFFFFFFFF  }
0x96: {  	s16 =	sld [smem:$0x10];
	(tm) =	ssettm $0x1  }
0x97: {  	s17 =	sld [smem:$0x3FFB];
	_ =	sdelay $0x3  }
0x98: {  	_ =	strace s17  }
0x99: {  	s3 =	sld [smem:$0x3FFC];
	_ =	sdelay $0x3  }
0x9a: {  	_ =	strace s3  }
0x9b: {  	s3 =	sld [smem:$0x3FFD];
	_ =	sdelay $0x3  }
0x9c: {  	_ =	strace s3  }
0x9d: {  	_ =	strace $0x8FFFFFFF  }
0x9e: {  	s18 =	sld [smem:$0x3FDB];
	_ =	sdelay $0x1  }
0x9f: {  	s19 =	simm.s32 $_scs_section_size  }
0xa0: {  	s5 =	simm.s32 $_size__tile_overlayer_lowered;
	s6 =	simm.s32 $_tile_overlayer_lowered  }
0xa1: {  	s22 =	simm.s32 $0x1BFF;
	s21 =	sshll.u32 s6, $0x1;
	s3 =	sadd.s32 s19, s18  }
0xa2: {  	s7 =	simm.s32 $0x0;
	s20 =	sshll.u32 s5, $0x1;
	s5 =	sadd.s32 s21, s3  }
0xa3: {  	[timem:s7], [sflag:s22] =	dma.local [hbm:s5], s20  }
0xa4: {  	_ =	swait.ge [sflag:s22], s20  }
0xa5: {  	s4 =	ssub.s32 $0x0, s20;
	[sflag:s22] =	ssyncset.done $0x0  }
0xa6: {  	[sflag:s22] =	ssyncadd.s32 s4;
	_ =	sdelay $0x1  }
0xa7: {  	s23 =	simm.s32 $0x1B8B  }
0xa8: {  	_ =	swait.ge [sflag:s23], $0x1  }
0xa9: {  	[sflag:s23] =	ssyncset.done $0x0  }
0xaa: {  	s25 =	simm.s32 $0x1B8E;
	s24 =	sld [smem:$0x3FFE];
	[sflag:s23] =	ssyncadd.s32 $0xFFFFFFFF  }
0xab: {  	s26 =	simm.s32 $execute0_lowered;
	[smem:$0x3FD2] =	sst s25  }
0xac: {  	s5 =	sshll.u32 s26, $0x1;
	_ =	strace $0x80000046;
	[dreg:$0x1] =	wrdreg $0xFFFFFFFF  }
0xad: {  	s28 =	simm.s32 $_size_execute0_lowered;
	s3 =	sadd.s32 s3, s5;
	[dreg:$0x0] =	wrdreg $0x0  }
0xae: {  	s5 =	sshll.u32 s28, $0x1;
	[dreg:$0x2] =	wrdreg s3  }
0xaf: {  	[dreg:$0x3] =	wrdreg s5  }
0xb0: {  	[dreg:$0x4] =	wrdreg $0xC0  }
0xb1: {  	_ =	task [dreg:s7], $0x5FFFF  }
0xb2: {  	[dreg:$0x1] =	wrdreg $0xFFFFFFFF  }
0xb3: {  	[dreg:$0x0] =	wrdreg $0x60  }
0xb4: {  	[dreg:$0x2] =	wrdreg s16  }
0xb5: {  	[dreg:$0x3] =	wrdreg s24  }
0xb6: {  	[dreg:$0x4] =	wrdreg $0x9  }
0xb7: {  	_ =	task.clear_ibuf [dreg:s7], $0x5FFFF;
	_ =	strace $0x90000046  }
0xb8: {  	s29 =	simm.s32 $0x9;
	_ =	strace $0x80000048  }
0xb9: {  	_ =	swait.ge [sflag:s29], $0x1  }
0xba: {  	[sflag:s29] =	ssyncadd.s32 $0xFFFFFFFF  }
0xbb: {  	_ =	strace $0x90000048  }
0xbc: {  	_ =	sfence  }
0xbd: {  	s30 =	sld [smem:$0x0];
	_ =	sdelay $0x2  }
0xbe: {  	s31 =	sshll.u32 s1, $0xD;
	s1 =	sshrl.u32 s1, $0x2  }
0xbf: {  	s3 =	sand.u32 $0x4000, s31;
	s1 =	sadd.s32 s1, s30  }
0xc0: {  	s0 =	sor.u32 s3, s0;
	s1 =	sshll.u32 s1, $0x11  }
0xc1: {  	s0 =	sor.u32 s1, s0  }
0xc2: {  	s0 =	sadd.s32 $0x8F2B, s0  }
0xc3: {  	[sflag:s0] =	ssyncadd.remote.s32 $0x1  }
0xc4: {  	_ =	sfence.sel $0xFFFF  }
0xc5: {  	[dreg:$0x0] =	wrdreg $0xFFFFFFFF;
	(pc) =	sbr.abs _section_cstart, $3  }
0xc6: {  	[dreg:$0x1] =	wrdreg $0xFFFFFFFF  }
0xc7: {  	_ =	task.clear_ibuf [dreg:s7], $0x2FFFF;
	_ =	strace $0x9FFFFFFF  }
0xc8: {  	(tm) =	ssettm $0x7FFFFFFF  }
0xc9: {  	_ =	shalt  }
tec
execute0_lowered:
.L_overlay_start_1:
0x0: {  	(tag) =	ssettag $0x1  }
0x1: {  	s1 =	srdreg.scid;
	s2 =	rddreg [dreg:$0x0]  }
0x2: {  	s0 =	stileid.u32;
	s8 =	rddreg [dreg:$0x1];
	s6 =	sand.u32 $0x1, s1  }
0x3: {  	s3 =	simm.s32 $0x0;
	s4 =	sshll.u32 s0, $0x9;
	s5 =	sshll.u32 s6, $0x8  }
0x4: {  	s7 =	simm.s32 $0x1;
	[smem:$0x7FF] =	sst s3;
	s9 =	sor.u32 s5, s4  }
0x5: {  	s1 =	rddreg [dreg:$0x2];
	_ =	strace $0x80000047;
	s4 =	sshrl.u32 s9, $0x3  }
0x6: {  	s10 =	ssub.s32 $0x2, s6;
	s5 =	sadd.s32 s8, s4;
	s4 =	simm.s32 $0x2  }
0x7: {  	[tilespmem:s3], [sflag:$0x2] =	stream.linear.gather [hbm4b:s5+s3], $0x100, $0x38;
	[tilespmem:$0x2100] =	vst v63  }
0x8: {  	s6 =	simm.s32 $0x100;
	s11 =	sshrl.u32 s10, $0x1;
	_ =	swait.ge [sflag:s4], $0x100  }
0x9: {  	s9 =	sshll.u32 s9, $0x2;
	s31 =	ssub.s32 s10, s11;
	[sflag:s4] =	ssyncset.done $0x0  }
0xa: {  	s8 =	sadd.s32 s9, s8;
	s9 =	smax.u32 s31, $0x1;
	[sflag:s4] =	ssyncadd.s32 $0xFFFFFF00  }
0xb: {  	[tilespmem:s6], [sflag:$0x1] =	stream.indirect.gather [hbm4b:s2+s6], $0x20, s3, s6, $0xb8;
	[tilespmem:$0x2100] =	vst v63  }
0xc: {  	p0 =	sne.s32 s9, $0x1;
	_ =	swait.ge [sflag:s7], $0x2000  }
.Ltmp0:
0xd: {  	[sflag:s7] =	ssyncset.done $0x0;
	(pc) =	sbr.rel @!p0 .LBB2_2-.Ltmp0, $4  }
0xe: {  	s8 =	sadd.s32 $0x400, s8;
	[sflag:s7] =	ssyncadd.s32 $0xFFFFE000  }
0xf: {  	[hbm4b:s8+s3] =	stream.linear.scatter [tilespmem:s6], [sflag:$0x2], $0x2000, $0x38;
	[tilespmem:$0x2100] =	vst v63  }
0x10: {  	_ =	swait.ge [sflag:s4], $0x2000  }
0x11: {  	s9 =	sadd.s32 $0xFFFFFFFF, s9;
	[sflag:s4] =	ssyncset.done $0x0  }
.LBB2_1:
0x12: {  	p0 =	sne.s32 s9, $0x1;
	s9 =	sadd.s32 $0xFFFFFFFF, s9;
	[sflag:s4] =	ssyncadd.s32 $0xFFFFE000  }
0x13: {  	[tilespmem:s3], [sflag:$0x2] =	stream.linear.gather [hbm4b:s5+s3], $0x100, $0x38;
	[tilespmem:$0x2100] =	vst v63  }
0x14: {  	_ =	swait.ge [sflag:s4], $0x100  }
0x15: {  	[sflag:s4] =	ssyncset.done $0x0  }
0x16: {  	[sflag:s4] =	ssyncadd.s32 $0xFFFFFF00  }
0x17: {  	[tilespmem:s6], [sflag:$0x1] =	stream.indirect.gather [hbm4b:s2+s6], $0x20, s3, s6, $0xb8;
	[tilespmem:$0x2100] =	vst v63  }
0x18: {  	_ =	swait.ge [sflag:s7], $0x2000  }
.Ltmp1:
0x19: {  	[sflag:s7] =	ssyncset.done $0x0;
	(pc) =	sbr.rel @p0 .LBB2_1-.Ltmp1, $4  }
0x1a: {  	[sflag:s7] =	ssyncadd.s32 $0xFFFFE000  }
0x1b: {  	[hbm4b:s8+s3] =	stream.linear.scatter [tilespmem:s6], [sflag:$0x2], $0x2000, $0x38;
	[tilespmem:$0x2100] =	vst v63  }
0x1c: {  	_ =	swait.ge [sflag:s4], $0x2000  }
0x1d: {  	[sflag:s4] =	ssyncset.done $0x0  }
.LBB2_2:
0x1e: {  	[sflag:s4] =	ssyncadd.s32 $0xFFFFE000  }
0x1f: {  	_ =	sfence.sel $0x180000  }
0x20: {  	[bflag:$0x0] =	sbarrier.arrive $0xFFFF  }
0x21: {  	p0 =	sne.s32 s0, $0x0;
	_ =	strace $0x90000047  }
0x22: {  	s0 =	sadd.s32 @!p0 $0x100000, s1;
	[bflag:$0x2] =	sbarrier.arrive $0xFFFF  }
0x23: {  	[sflag:s0] =	ssyncadd.tile.s32 @!p0 $0x1;
	_ =	shalt  }
.Lfunc_end2:
_tile_overlayer_lowered:
.L_overlay_start_2:
0x24: {  	(tag) =	ssettag $0x2  }
0x25: {  	s0 =	rddreg [dreg:$0x0];
	s2 =	stileid.u32  }
0x26: {  	s1 =	rddreg [dreg:$0x1];
	p0 =	sne.s32 s2, $0x0  }
0x27: {  	s3 =	rddreg [dreg:$0x2];
	[bflag:$0x3] =	sbarrier.arrive $0xFFFF;
	s2 =	simm.s32 @!p0 $0x1C02  }
0x28: {  	[timem:s3], [sflag:s2] =	dma.local @!p0 [hbm:s0], s1  }
0x29: {  	s0 =	simm.s32 @!p0 $0x2  }
0x2a: {  	_ =	swait.ge @!p0 [sflag:s0], s1  }
0x2b: {  	s1 =	ssub.s32 @!p0 $0x0, s1;
	[sflag:s0] =	ssyncset.done @!p0 $0x0  }
0x2c: {  	[sflag:s0] =	ssyncadd.s32 @!p0 s1  }
0x2d: {  	[bflag:$0x3] =	sbarrier.arrive $0xFFFF  }
0x2e: {  	_ =	shalt  }

</sc_bundles>
